<compile_context>
chip_gen: v7x
topology: tpu7x:2x2x1
jax: 0.10.2.dev20260603
libtpu: 0.0.44.dev20260713+nightly
codegen_flags: <defaults>
</compile_context>

<pallas_src>
import jax
import jax.numpy as jnp
from jax import lax
from jax.experimental import pallas as pl
from jax.experimental.pallas import tpu as pltpu
from jax.experimental.pallas import tpu_sc as plsc

B, C, H, W = 4, 96, 224, 224
R = B * C
RB = 32
GRID = R // RB
CB_COUNT = C // RB
QCNT = C // 4 + 1
L = 16



def _sc_body(b1_hbm, b2_hbm, cnt_hbm, bn_v, cnt_v, sem):
    wid = lax.axis_index("c") * 16 + lax.axis_index("s")

    @pl.when(wid == 0)
    def _():
        pltpu.sync_copy(b1_hbm, bn_v.at[0, pl.ds(0, C)])
        pltpu.sync_copy(b2_hbm, bn_v.at[1, pl.ds(0, C)])
        for k in range(2):
            for iv in range(C // L):
                sl = pl.ds(iv * L, L)
                bn_v[k, sl] = jnp.abs(bn_v[k, sl])

        def jstep(j, carry):
            out = []
            for k in range(2):
                sj = bn_v[k, pl.ds(j, L)][0]
                for iv in range(C // L):
                    av = bn_v[k, pl.ds(iv * L, L)]
                    out.append(carry[k * (C // L) + iv] +
                               jnp.where(sj <= av, jnp.int32(1),
                                         jnp.int32(0)))
            return tuple(out)

        init = tuple(jnp.zeros((L,), jnp.int32) for _ in range(2 * (C // L)))
        cnt = lax.fori_loop(0, C, jstep, init)
        for k in range(2):
            for iv in range(C // L):
                cnt_v[pl.ds(k * C + iv * L, L)] = cnt[k * (C // L) + iv]
        pltpu.sync_copy(cnt_v.at[pl.ds(0, 2 * C)], cnt_hbm)


def _sc_counts(b1, b2):
    mesh = plsc.VectorSubcoreMesh(core_axis_name="c", subcore_axis_name="s")
    f = pl.kernel(
        _sc_body,
        out_type=jax.ShapeDtypeStruct((2 * C,), jnp.int32),
        mesh=mesh,
        scratch_types=[
            pltpu.VMEM((2, C + L), jnp.float32),
            pltpu.VMEM((2 * C + L,), jnp.int32),
            pltpu.SemaphoreType.DMA,
        ],
        compiler_params=pltpu.CompilerParams(use_tc_tiling_on_sc=True),
    )
    return f(b1, b2)



def _tc_body(x0_ref, x1_ref, c1_ref, c2_ref, o1_ref, o2_ref):
    m1 = jnp.reshape(c1_ref[...] >= QCNT, (RB, 1, 1))
    m2 = jnp.reshape(c2_ref[...] >= QCNT, (RB, 1, 1))
    x0 = x0_ref[...]
    x1 = x1_ref[...]
    o1_ref[...] = jnp.where(m1, x0, x1)
    o2_ref[...] = jnp.where(m2, x1, x0)


def _tc_exchange(x0r, x1r, cnt2d):
    return pl.pallas_call(
        _tc_body,
        grid=(GRID,),
        in_specs=[
            pl.BlockSpec((RB, H, W), lambda i: (i, 0, 0)),
            pl.BlockSpec((RB, H, W), lambda i: (i, 0, 0)),
            pl.BlockSpec((RB, 1), lambda i: (i % CB_COUNT, 0)),
            pl.BlockSpec((RB, 1), lambda i: (CB_COUNT + i % CB_COUNT, 0)),
        ],
        out_specs=[
            pl.BlockSpec((RB, H, W), lambda i: (i, 0, 0)),
            pl.BlockSpec((RB, H, W), lambda i: (i, 0, 0)),
        ],
        out_shape=[
            jax.ShapeDtypeStruct((R, H, W), jnp.float32),
            jax.ShapeDtypeStruct((R, H, W), jnp.float32),
        ],
        compiler_params=pltpu.CompilerParams(
            vmem_limit_bytes=64 * 1024 * 1024),
    )(x0r, x1r, cnt2d, cnt2d)


def kernel(x0, x1, bn1_weight, bn2_weight, bn_threshold):
    del bn_threshold
    x0r = x0.reshape(R, H, W)
    x1r = x1.reshape(R, H, W)
    cnt2d = _sc_counts(bn1_weight, bn2_weight).reshape(2 * C, 1)
    out1, out2 = _tc_exchange(x0r, x1r, cnt2d)
    return (out1.reshape(B, C, H, W), out2.reshape(B, C, H, W))

# --- scband reference (transcript-rebuilt; emitter-appended) ---
"""Pipeline reference for scband-exchange-7430293422750 (READ-ONLY COPY).

The authoritative reference and input builder live on the scoring server;
editing this copy changes nothing except your own understanding.
"""

import jax, jax.numpy as jnp
import numpy as np

def setup_inputs(seed: int = 0) -> dict:
    key = jax.random.key(seed)
    k0, k1, k2, k3 = jax.random.split(key, 4)
    B, C, H, W = 4, 96, 224, 224
    x0 = jax.random.normal(k0, (B, C, H, W), dtype=jnp.float32)
    x1 = jax.random.normal(k1, (B, C, H, W), dtype=jnp.float32)
    bn1_weight = jax.random.normal(k2, (C,), dtype=jnp.float32)
    bn2_weight = jax.random.normal(k3, (C,), dtype=jnp.float32)
    return {"x0": x0, "x1": x1, "bn1_weight": bn1_weight, "bn2_weight": bn2_weight, "bn_threshold": 1}

def reference(x0, x1, bn1_weight, bn2_weight, bn_threshold):
    # bn_threshold arg is ignored by the original module: thresholds are the
    # first-quartile values of |bn.weight| computed via sort.
    bn1 = jnp.abs(bn1_weight)
    bn2 = jnp.abs(bn2_weight)
    C = bn1.shape[0]
    bn_threshold1 = jnp.sort(bn1)[C // 4]
    bn_threshold2 = jnp.sort(bn2)[C // 4]
    mask1 = (bn1 >= bn_threshold1)[None, :, None, None]
    mask2 = (bn2 >= bn_threshold2)[None, :, None, None]
    # x1_out[:, bn1>=t1] = x0[:, ...]; x1_out[:, bn1<t1] = x1[:, ...]
    x1_out = jnp.where(mask1, x0, x1)
    # x2_out[:, bn2>=t2] = x1[:, ...]; x2_out[:, bn2<t2] = x0[:, ...]
    x2_out = jnp.where(mask2, x1, x0)
    return (x1_out, x2_out)

if __name__ == "__main__":
    import jax
    _d = setup_inputs()
    print(jax.jit(kernel)(*tuple(_d.values())))

</pallas_src>

<mosaic_0001>
#map = affine_map<(d0, d1) -> (0)>
module attributes {stable_mosaic.version = 14 : i64} {
  func.func @_sc_body(%arg0: i32, %arg1: i32, %arg2: memref<96xf32, #tpu.memory_space<hbm>>, %arg3: memref<96xf32, #tpu.memory_space<hbm>>, %arg4: memref<192xi32, #tpu.memory_space<hbm>>, %arg5: memref<2x112xf32, #tpu.memory_space<vmem>>, %arg6: memref<208xi32, #tpu.memory_space<vmem>>, %arg7: memref<!tpu.dma_semaphore, #tpu.memory_space<semaphore_mem>>) attributes {dimension_semantics = [#tpu.dimension_semantics<core_parallel>, #tpu.dimension_semantics<subcore_parallel>], iteration_bounds = array<i64: 2, 16>, scalar_prefetch = 0 : i64, scratch_operands = 3 : i64, tpu.core_type = #tpu.core_type<sc_vector_subcore>, window_params = [{transform_indices = #map}, {transform_indices = #map}, {transform_indices = #map}]} {
    %mul3A = arith.constant 16 : i32
    %mul3A_0 = arith.muli %arg0, %mul3A : i32
    %add3A = arith.addi %mul3A_0, %arg1 : i32
    %eq3A = arith.constant 0 : i32
    %eq3A_1 = arith.cmpi eq, %add3A, %eq3A : i32
    %convert_element_type3A = arith.extui %eq3A_1 : i1 to i32
    %cond3A = arith.constant 0 : i32
    %cond3A_2 = arith.cmpi ne, %convert_element_type3A, %cond3A : i32
    scf.if %cond3A_2 {
      %run_scoped3A = arith.constant 0 : i32
      "tpu.region"() ({
        %run_scoped3A_221 = tpu.sem_alloc : memref<!tpu.dma_semaphore, #tpu.memory_space<semaphore_mem>>
        %dma_start3A = arith.constant 0 : i32
        %dma_start3A_222 = tpu.memref_slice %arg5[%run_scoped3A, %dma_start3A] : memref<2x112xf32, #tpu.memory_space<vmem>> -> memref<1x96xf32, #tpu.memory_space<vmem>>
        %dma_start3A_223 = tpu.memref_squeeze %dma_start3A_222 : memref<1x96xf32, #tpu.memory_space<vmem>> -> memref<96xf32, #tpu.memory_space<vmem>>
        %dma_start3A_224 = arith.constant 0 : i32
        %dma_start3A_225 = tpu.memref_slice %arg5[%run_scoped3A, %dma_start3A_224] : memref<2x112xf32, #tpu.memory_space<vmem>> -> memref<1x96xf32, #tpu.memory_space<vmem>>
        %dma_start3A_226 = tpu.memref_squeeze %dma_start3A_225 : memref<1x96xf32, #tpu.memory_space<vmem>> -> memref<96xf32, #tpu.memory_space<vmem>>
        tpu.enqueue_dma source(%arg2 : memref<96xf32, #tpu.memory_space<hbm>>) target(%dma_start3A_226 : memref<96xf32, #tpu.memory_space<vmem>>) target_semaphore(%run_scoped3A_221 : memref<!tpu.dma_semaphore, #tpu.memory_space<semaphore_mem>>)
        %dma_wait3A = arith.constant 0 : i32
        %dma_wait3A_227 = tpu.memref_slice %arg5[%run_scoped3A, %dma_wait3A] : memref<2x112xf32, #tpu.memory_space<vmem>> -> memref<1x96xf32, #tpu.memory_space<vmem>>
        %dma_wait3A_228 = tpu.memref_squeeze %dma_wait3A_227 : memref<1x96xf32, #tpu.memory_space<vmem>> -> memref<96xf32, #tpu.memory_space<vmem>>
        %dma_wait3A_229 = arith.constant 0 : i32
        %dma_wait3A_230 = tpu.memref_slice %arg5[%run_scoped3A, %dma_wait3A_229] : memref<2x112xf32, #tpu.memory_space<vmem>> -> memref<1x96xf32, #tpu.memory_space<vmem>>
        %dma_wait3A_231 = tpu.memref_squeeze %dma_wait3A_230 : memref<1x96xf32, #tpu.memory_space<vmem>> -> memref<96xf32, #tpu.memory_space<vmem>>
        tpu.wait_dma2 semaphore(%run_scoped3A_221 : memref<!tpu.dma_semaphore, #tpu.memory_space<semaphore_mem>>) src(%arg2 : memref<96xf32, #tpu.memory_space<hbm>>) dst(%dma_wait3A_231 : memref<96xf32, #tpu.memory_space<vmem>>)
        tpu.yield
      }) : () -> ()
      %run_scoped3A_3 = arith.constant 1 : i32
      "tpu.region"() ({
        %run_scoped3A_221 = tpu.sem_alloc : memref<!tpu.dma_semaphore, #tpu.memory_space<semaphore_mem>>
        %dma_start3A = arith.constant 0 : i32
        %dma_start3A_222 = tpu.memref_slice %arg5[%run_scoped3A_3, %dma_start3A] : memref<2x112xf32, #tpu.memory_space<vmem>> -> memref<1x96xf32, #tpu.memory_space<vmem>>
        %dma_start3A_223 = tpu.memref_squeeze %dma_start3A_222 : memref<1x96xf32, #tpu.memory_space<vmem>> -> memref<96xf32, #tpu.memory_space<vmem>>
        %dma_start3A_224 = arith.constant 0 : i32
        %dma_start3A_225 = tpu.memref_slice %arg5[%run_scoped3A_3, %dma_start3A_224] : memref<2x112xf32, #tpu.memory_space<vmem>> -> memref<1x96xf32, #tpu.memory_space<vmem>>
        %dma_start3A_226 = tpu.memref_squeeze %dma_start3A_225 : memref<1x96xf32, #tpu.memory_space<vmem>> -> memref<96xf32, #tpu.memory_space<vmem>>
        tpu.enqueue_dma source(%arg3 : memref<96xf32, #tpu.memory_space<hbm>>) target(%dma_start3A_226 : memref<96xf32, #tpu.memory_space<vmem>>) target_semaphore(%run_scoped3A_221 : memref<!tpu.dma_semaphore, #tpu.memory_space<semaphore_mem>>)
        %dma_wait3A = arith.constant 0 : i32
        %dma_wait3A_227 = tpu.memref_slice %arg5[%run_scoped3A_3, %dma_wait3A] : memref<2x112xf32, #tpu.memory_space<vmem>> -> memref<1x96xf32, #tpu.memory_space<vmem>>
        %dma_wait3A_228 = tpu.memref_squeeze %dma_wait3A_227 : memref<1x96xf32, #tpu.memory_space<vmem>> -> memref<96xf32, #tpu.memory_space<vmem>>
        %dma_wait3A_229 = arith.constant 0 : i32
        %dma_wait3A_230 = tpu.memref_slice %arg5[%run_scoped3A_3, %dma_wait3A_229] : memref<2x112xf32, #tpu.memory_space<vmem>> -> memref<1x96xf32, #tpu.memory_space<vmem>>
        %dma_wait3A_231 = tpu.memref_squeeze %dma_wait3A_230 : memref<1x96xf32, #tpu.memory_space<vmem>> -> memref<96xf32, #tpu.memory_space<vmem>>
        tpu.wait_dma2 semaphore(%run_scoped3A_221 : memref<!tpu.dma_semaphore, #tpu.memory_space<semaphore_mem>>) src(%arg3 : memref<96xf32, #tpu.memory_space<hbm>>) dst(%dma_wait3A_231 : memref<96xf32, #tpu.memory_space<vmem>>)
        tpu.yield
      }) : () -> ()
      %get3A = arith.constant 0 : i32
      %get3A_4 = arith.index_cast %get3A : i32 to index
      %get3A_5 = arith.constant 0 : index
      %get3A_6 = tpu.vector_load %arg5[%get3A_4, %get3A_5] {strides = array<i32>} : memref<2x112xf32, #tpu.memory_space<vmem>>, vector<1x16xf32>,
      %get3A_7 = vector.shape_cast %get3A_6 : vector<1x16xf32> to vector<16xf32>
      %abs3A = math.absf %get3A_7 : vector<16xf32>
      %swap3A = arith.constant 0 : i32
      %swap3A_8 = arith.index_cast %swap3A : i32 to index
      %swap3A_9 = arith.constant 0 : index
      %swap3A_10 = tpu.vector_load %arg5[%swap3A_8, %swap3A_9] {strides = array<i32>} : memref<2x112xf32, #tpu.memory_space<vmem>>, vector<1x16xf32>,
      %swap3A_11 = vector.shape_cast %swap3A_10 : vector<1x16xf32> to vector<16xf32>
      %swap3A_12 = vector.shape_cast %abs3A : vector<16xf32> to vector<1x16xf32>
      tpu.vector_store %arg5[%swap3A_8, %swap3A_9], %swap3A_12 {strides = array<i32>} : memref<2x112xf32, #tpu.memory_space<vmem>>, vector<1x16xf32>,
      %get3A_13 = arith.constant 0 : i32
      %get3A_14 = arith.index_cast %get3A_13 : i32 to index
      %get3A_15 = arith.constant 16 : index
      %get3A_16 = tpu.vector_load %arg5[%get3A_14, %get3A_15] {strides = array<i32>} : memref<2x112xf32, #tpu.memory_space<vmem>>, vector<1x16xf32>,
      %get3A_17 = vector.shape_cast %get3A_16 : vector<1x16xf32> to vector<16xf32>
      %abs3A_18 = math.absf %get3A_17 : vector<16xf32>
      %swap3A_19 = arith.constant 0 : i32
      %swap3A_20 = arith.index_cast %swap3A_19 : i32 to index
      %swap3A_21 = arith.constant 16 : index
      %swap3A_22 = tpu.vector_load %arg5[%swap3A_20, %swap3A_21] {strides = array<i32>} : memref<2x112xf32, #tpu.memory_space<vmem>>, vector<1x16xf32>,
      %swap3A_23 = vector.shape_cast %swap3A_22 : vector<1x16xf32> to vector<16xf32>
      %swap3A_24 = vector.shape_cast %abs3A_18 : vector<16xf32> to vector<1x16xf32>
      tpu.vector_store %arg5[%swap3A_20, %swap3A_21], %swap3A_24 {strides = array<i32>} : memref<2x112xf32, #tpu.memory_space<vmem>>, vector<1x16xf32>,
      %get3A_25 = arith.constant 0 : i32
      %get3A_26 = arith.index_cast %get3A_25 : i32 to index
      %get3A_27 = arith.constant 32 : index
      %get3A_28 = tpu.vector_load %arg5[%get3A_26, %get3A_27] {strides = array<i32>} : memref<2x112xf32, #tpu.memory_space<vmem>>, vector<1x16xf32>,
      %get3A_29 = vector.shape_cast %get3A_28 : vector<1x16xf32> to vector<16xf32>
      %abs3A_30 = math.absf %get3A_29 : vector<16xf32>
      %swap3A_31 = arith.constant 0 : i32
      %swap3A_32 = arith.index_cast %swap3A_31 : i32 to index
      %swap3A_33 = arith.constant 32 : index
      %swap3A_34 = tpu.vector_load %arg5[%swap3A_32, %swap3A_33] {strides = array<i32>} : memref<2x112xf32, #tpu.memory_space<vmem>>, vector<1x16xf32>,
      %swap3A_35 = vector.shape_cast %swap3A_34 : vector<1x16xf32> to vector<16xf32>
      %swap3A_36 = vector.shape_cast %abs3A_30 : vector<16xf32> to vector<1x16xf32>
      tpu.vector_store %arg5[%swap3A_32, %swap3A_33], %swap3A_36 {strides = array<i32>} : memref<2x112xf32, #tpu.memory_space<vmem>>, vector<1x16xf32>,
      %get3A_37 = arith.constant 0 : i32
      %get3A_38 = arith.index_cast %get3A_37 : i32 to index
      %get3A_39 = arith.constant 48 : index
      %get3A_40 = tpu.vector_load %arg5[%get3A_38, %get3A_39] {strides = array<i32>} : memref<2x112xf32, #tpu.memory_space<vmem>>, vector<1x16xf32>,
      %get3A_41 = vector.shape_cast %get3A_40 : vector<1x16xf32> to vector<16xf32>
      %abs3A_42 = math.absf %get3A_41 : vector<16xf32>
      %swap3A_43 = arith.constant 0 : i32
      %swap3A_44 = arith.index_cast %swap3A_43 : i32 to index
      %swap3A_45 = arith.constant 48 : index
      %swap3A_46 = tpu.vector_load %arg5[%swap3A_44, %swap3A_45] {strides = array<i32>} : memref<2x112xf32, #tpu.memory_space<vmem>>, vector<1x16xf32>,
      %swap3A_47 = vector.shape_cast %swap3A_46 : vector<1x16xf32> to vector<16xf32>
      %swap3A_48 = vector.shape_cast %abs3A_42 : vector<16xf32> to vector<1x16xf32>
      tpu.vector_store %arg5[%swap3A_44, %swap3A_45], %swap3A_48 {strides = array<i32>} : memref<2x112xf32, #tpu.memory_space<vmem>>, vector<1x16xf32>,
      %get3A_49 = arith.constant 0 : i32
      %get3A_50 = arith.index_cast %get3A_49 : i32 to index
      %get3A_51 = arith.constant 64 : index
      %get3A_52 = tpu.vector_load %arg5[%get3A_50, %get3A_51] {strides = array<i32>} : memref<2x112xf32, #tpu.memory_space<vmem>>, vector<1x16xf32>,
      %get3A_53 = vector.shape_cast %get3A_52 : vector<1x16xf32> to vector<16xf32>
      %abs3A_54 = math.absf %get3A_53 : vector<16xf32>
      %swap3A_55 = arith.constant 0 : i32
      %swap3A_56 = arith.index_cast %swap3A_55 : i32 to index
      %swap3A_57 = arith.constant 64 : index
      %swap3A_58 = tpu.vector_load %arg5[%swap3A_56, %swap3A_57] {strides = array<i32>} : memref<2x112xf32, #tpu.memory_space<vmem>>, vector<1x16xf32>,
      %swap3A_59 = vector.shape_cast %swap3A_58 : vector<1x16xf32> to vector<16xf32>
      %swap3A_60 = vector.shape_cast %abs3A_54 : vector<16xf32> to vector<1x16xf32>
      tpu.vector_store %arg5[%swap3A_56, %swap3A_57], %swap3A_60 {strides = array<i32>} : memref<2x112xf32, #tpu.memory_space<vmem>>, vector<1x16xf32>,
      %get3A_61 = arith.constant 0 : i32
      %get3A_62 = arith.index_cast %get3A_61 : i32 to index
      %get3A_63 = arith.constant 80 : index
      %get3A_64 = tpu.vector_load %arg5[%get3A_62, %get3A_63] {strides = array<i32>} : memref<2x112xf32, #tpu.memory_space<vmem>>, vector<1x16xf32>,
      %get3A_65 = vector.shape_cast %get3A_64 : vector<1x16xf32> to vector<16xf32>
      %abs3A_66 = math.absf %get3A_65 : vector<16xf32>
      %swap3A_67 = arith.constant 0 : i32
      %swap3A_68 = arith.index_cast %swap3A_67 : i32 to index
      %swap3A_69 = arith.constant 80 : index
      %swap3A_70 = tpu.vector_load %arg5[%swap3A_68, %swap3A_69] {strides = array<i32>} : memref<2x112xf32, #tpu.memory_space<vmem>>, vector<1x16xf32>,
      %swap3A_71 = vector.shape_cast %swap3A_70 : vector<1x16xf32> to vector<16xf32>
      %swap3A_72 = vector.shape_cast %abs3A_66 : vector<16xf32> to vector<1x16xf32>
      tpu.vector_store %arg5[%swap3A_68, %swap3A_69], %swap3A_72 {strides = array<i32>} : memref<2x112xf32, #tpu.memory_space<vmem>>, vector<1x16xf32>,
      %get3A_73 = arith.constant 1 : i32
      %get3A_74 = arith.index_cast %get3A_73 : i32 to index
      %get3A_75 = arith.constant 0 : index
      %get3A_76 = tpu.vector_load %arg5[%get3A_74, %get3A_75] {strides = array<i32>} : memref<2x112xf32, #tpu.memory_space<vmem>>, vector<1x16xf32>,
      %get3A_77 = vector.shape_cast %get3A_76 : vector<1x16xf32> to vector<16xf32>
      %abs3A_78 = math.absf %get3A_77 : vector<16xf32>
      %swap3A_79 = arith.constant 1 : i32
      %swap3A_80 = arith.index_cast %swap3A_79 : i32 to index
      %swap3A_81 = arith.constant 0 : index
      %swap3A_82 = tpu.vector_load %arg5[%swap3A_80, %swap3A_81] {strides = array<i32>} : memref<2x112xf32, #tpu.memory_space<vmem>>, vector<1x16xf32>,
      %swap3A_83 = vector.shape_cast %swap3A_82 : vector<1x16xf32> to vector<16xf32>
      %swap3A_84 = vector.shape_cast %abs3A_78 : vector<16xf32> to vector<1x16xf32>
      tpu.vector_store %arg5[%swap3A_80, %swap3A_81], %swap3A_84 {strides = array<i32>} : memref<2x112xf32, #tpu.memory_space<vmem>>, vector<1x16xf32>,
      %get3A_85 = arith.constant 1 : i32
      %get3A_86 = arith.index_cast %get3A_85 : i32 to index
      %get3A_87 = arith.constant 16 : index
      %get3A_88 = tpu.vector_load %arg5[%get3A_86, %get3A_87] {strides = array<i32>} : memref<2x112xf32, #tpu.memory_space<vmem>>, vector<1x16xf32>,
      %get3A_89 = vector.shape_cast %get3A_88 : vector<1x16xf32> to vector<16xf32>
      %abs3A_90 = math.absf %get3A_89 : vector<16xf32>
      %swap3A_91 = arith.constant 1 : i32
      %swap3A_92 = arith.index_cast %swap3A_91 : i32 to index
      %swap3A_93 = arith.constant 16 : index
      %swap3A_94 = tpu.vector_load %arg5[%swap3A_92, %swap3A_93] {strides = array<i32>} : memref<2x112xf32, #tpu.memory_space<vmem>>, vector<1x16xf32>,
      %swap3A_95 = vector.shape_cast %swap3A_94 : vector<1x16xf32> to vector<16xf32>
      %swap3A_96 = vector.shape_cast %abs3A_90 : vector<16xf32> to vector<1x16xf32>
      tpu.vector_store %arg5[%swap3A_92, %swap3A_93], %swap3A_96 {strides = array<i32>} : memref<2x112xf32, #tpu.memory_space<vmem>>, vector<1x16xf32>,
      %get3A_97 = arith.constant 1 : i32
      %get3A_98 = arith.index_cast %get3A_97 : i32 to index
      %get3A_99 = arith.constant 32 : index
      %get3A_100 = tpu.vector_load %arg5[%get3A_98, %get3A_99] {strides = array<i32>} : memref<2x112xf32, #tpu.memory_space<vmem>>, vector<1x16xf32>,
      %get3A_101 = vector.shape_cast %get3A_100 : vector<1x16xf32> to vector<16xf32>
      %abs3A_102 = math.absf %get3A_101 : vector<16xf32>
      %swap3A_103 = arith.constant 1 : i32
      %swap3A_104 = arith.index_cast %swap3A_103 : i32 to index
      %swap3A_105 = arith.constant 32 : index
      %swap3A_106 = tpu.vector_load %arg5[%swap3A_104, %swap3A_105] {strides = array<i32>} : memref<2x112xf32, #tpu.memory_space<vmem>>, vector<1x16xf32>,
      %swap3A_107 = vector.shape_cast %swap3A_106 : vector<1x16xf32> to vector<16xf32>
      %swap3A_108 = vector.shape_cast %abs3A_102 : vector<16xf32> to vector<1x16xf32>
      tpu.vector_store %arg5[%swap3A_104, %swap3A_105], %swap3A_108 {strides = array<i32>} : memref<2x112xf32, #tpu.memory_space<vmem>>, vector<1x16xf32>,
      %get3A_109 = arith.constant 1 : i32
      %get3A_110 = arith.index_cast %get3A_109 : i32 to index
      %get3A_111 = arith.constant 48 : index
      %get3A_112 = tpu.vector_load %arg5[%get3A_110, %get3A_111] {strides = array<i32>} : memref<2x112xf32, #tpu.memory_space<vmem>>, vector<1x16xf32>,
      %get3A_113 = vector.shape_cast %get3A_112 : vector<1x16xf32> to vector<16xf32>
      %abs3A_114 = math.absf %get3A_113 : vector<16xf32>
      %swap3A_115 = arith.constant 1 : i32
      %swap3A_116 = arith.index_cast %swap3A_115 : i32 to index
      %swap3A_117 = arith.constant 48 : index
      %swap3A_118 = tpu.vector_load %arg5[%swap3A_116, %swap3A_117] {strides = array<i32>} : memref<2x112xf32, #tpu.memory_space<vmem>>, vector<1x16xf32>,
      %swap3A_119 = vector.shape_cast %swap3A_118 : vector<1x16xf32> to vector<16xf32>
      %swap3A_120 = vector.shape_cast %abs3A_114 : vector<16xf32> to vector<1x16xf32>
      tpu.vector_store %arg5[%swap3A_116, %swap3A_117], %swap3A_120 {strides = array<i32>} : memref<2x112xf32, #tpu.memory_space<vmem>>, vector<1x16xf32>,
      %get3A_121 = arith.constant 1 : i32
      %get3A_122 = arith.index_cast %get3A_121 : i32 to index
      %get3A_123 = arith.constant 64 : index
      %get3A_124 = tpu.vector_load %arg5[%get3A_122, %get3A_123] {strides = array<i32>} : memref<2x112xf32, #tpu.memory_space<vmem>>, vector<1x16xf32>,
      %get3A_125 = vector.shape_cast %get3A_124 : vector<1x16xf32> to vector<16xf32>
      %abs3A_126 = math.absf %get3A_125 : vector<16xf32>
      %swap3A_127 = arith.constant 1 : i32
      %swap3A_128 = arith.index_cast %swap3A_127 : i32 to index
      %swap3A_129 = arith.constant 64 : index
      %swap3A_130 = tpu.vector_load %arg5[%swap3A_128, %swap3A_129] {strides = array<i32>} : memref<2x112xf32, #tpu.memory_space<vmem>>, vector<1x16xf32>,
      %swap3A_131 = vector.shape_cast %swap3A_130 : vector<1x16xf32> to vector<16xf32>
      %swap3A_132 = vector.shape_cast %abs3A_126 : vector<16xf32> to vector<1x16xf32>
      tpu.vector_store %arg5[%swap3A_128, %swap3A_129], %swap3A_132 {strides = array<i32>} : memref<2x112xf32, #tpu.memory_space<vmem>>, vector<1x16xf32>,
      %get3A_133 = arith.constant 1 : i32
      %get3A_134 = arith.index_cast %get3A_133 : i32 to index
      %get3A_135 = arith.constant 80 : index
      %get3A_136 = tpu.vector_load %arg5[%get3A_134, %get3A_135] {strides = array<i32>} : memref<2x112xf32, #tpu.memory_space<vmem>>, vector<1x16xf32>,
      %get3A_137 = vector.shape_cast %get3A_136 : vector<1x16xf32> to vector<16xf32>
      %abs3A_138 = math.absf %get3A_137 : vector<16xf32>
      %swap3A_139 = arith.constant 1 : i32
      %swap3A_140 = arith.index_cast %swap3A_139 : i32 to index
      %swap3A_141 = arith.constant 80 : index
      %swap3A_142 = tpu.vector_load %arg5[%swap3A_140, %swap3A_141] {strides = array<i32>} : memref<2x112xf32, #tpu.memory_space<vmem>>, vector<1x16xf32>,
      %swap3A_143 = vector.shape_cast %swap3A_142 : vector<1x16xf32> to vector<16xf32>
      %swap3A_144 = vector.shape_cast %abs3A_138 : vector<16xf32> to vector<1x16xf32>
      tpu.vector_store %arg5[%swap3A_140, %swap3A_141], %swap3A_144 {strides = array<i32>} : memref<2x112xf32, #tpu.memory_space<vmem>>, vector<1x16xf32>,
      %broadcast_in_dim3A = arith.constant 0 : i32
      %broadcast_in_dim3A_145 = vector.broadcast %broadcast_in_dim3A : i32 to vector<16xi32>
      %broadcast_in_dim3A_146 = arith.constant 0 : i32
      %broadcast_in_dim3A_147 = vector.broadcast %broadcast_in_dim3A_146 : i32 to vector<16xi32>
      %broadcast_in_dim3A_148 = arith.constant 0 : i32
      %broadcast_in_dim3A_149 = vector.broadcast %broadcast_in_dim3A_148 : i32 to vector<16xi32>
      %broadcast_in_dim3A_150 = arith.constant 0 : i32
      %broadcast_in_dim3A_151 = vector.broadcast %broadcast_in_dim3A_150 : i32 to vector<16xi32>
      %broadcast_in_dim3A_152 = arith.constant 0 : i32
      %broadcast_in_dim3A_153 = vector.broadcast %broadcast_in_dim3A_152 : i32 to vector<16xi32>
      %broadcast_in_dim3A_154 = arith.constant 0 : i32
      %broadcast_in_dim3A_155 = vector.broadcast %broadcast_in_dim3A_154 : i32 to vector<16xi32>
      %broadcast_in_dim3A_156 = arith.constant 0 : i32
      %broadcast_in_dim3A_157 = vector.broadcast %broadcast_in_dim3A_156 : i32 to vector<16xi32>
      %broadcast_in_dim3A_158 = arith.constant 0 : i32
      %broadcast_in_dim3A_159 = vector.broadcast %broadcast_in_dim3A_158 : i32 to vector<16xi32>
      %broadcast_in_dim3A_160 = arith.constant 0 : i32
      %broadcast_in_dim3A_161 = vector.broadcast %broadcast_in_dim3A_160 : i32 to vector<16xi32>
      %broadcast_in_dim3A_162 = arith.constant 0 : i32
      %broadcast_in_dim3A_163 = vector.broadcast %broadcast_in_dim3A_162 : i32 to vector<16xi32>
      %broadcast_in_dim3A_164 = arith.constant 0 : i32
      %broadcast_in_dim3A_165 = vector.broadcast %broadcast_in_dim3A_164 : i32 to vector<16xi32>
      %broadcast_in_dim3A_166 = arith.constant 0 : i32
      %broadcast_in_dim3A_167 = vector.broadcast %broadcast_in_dim3A_166 : i32 to vector<16xi32>
      %scan3A = arith.constant 0 : i32
      %scan3A_168 = arith.constant 96 : i32
      %scan3A_169 = arith.addi %scan3A, %scan3A_168 : i32
      %scan3A_170 = arith.constant 1 : i32
      %scan3A_171:12 = scf.for %scan3A_221 = %scan3A to %scan3A_169 step %scan3A_170 iter_args(%scan3A_222 = %broadcast_in_dim3A_145, %scan3A_223 = %broadcast_in_dim3A_147, %scan3A_224 = %broadcast_in_dim3A_149, %scan3A_225 = %broadcast_in_dim3A_151, %scan3A_226 = %broadcast_in_dim3A_153, %scan3A_227 = %broadcast_in_dim3A_155, %scan3A_228 = %broadcast_in_dim3A_157, %scan3A_229 = %broadcast_in_dim3A_159, %scan3A_230 = %broadcast_in_dim3A_161, %scan3A_231 = %broadcast_in_dim3A_163, %scan3A_232 = %broadcast_in_dim3A_165, %scan3A_233 = %broadcast_in_dim3A_167) -> (vector<16xi32>, vector<16xi32>, vector<16xi32>, vector<16xi32>, vector<16xi32>, vector<16xi32>, vector<16xi32>, vector<16xi32>, vector<16xi32>, vector<16xi32>, vector<16xi32>, vector<16xi32>)  : i32 {
        %get3A_234 = arith.constant 0 : i32
        %get3A_235 = arith.index_cast %get3A_234 : i32 to index
        %get3A_236 = arith.index_cast %scan3A_221 : i32 to index
        %get3A_237 = tpu.vector_load %arg5[%get3A_235, %get3A_236] {strides = array<i32>} : memref<2x112xf32, #tpu.memory_space<vmem>>, vector<1x16xf32>,
        %get3A_238 = vector.shape_cast %get3A_237 : vector<1x16xf32> to vector<16xf32>
        %slice3A = vector.extract_strided_slice %get3A_238 {offsets = [0], sizes = [1], strides = [1]} : vector<16xf32> to vector<1xf32>
        %squeeze3A = vector.extract %slice3A[0] : f32 from vector<1xf32>
        %get3A_239 = arith.constant 0 : i32
        %get3A_240 = arith.index_cast %get3A_239 : i32 to index
        %get3A_241 = arith.constant 0 : index
        %get3A_242 = tpu.vector_load %arg5[%get3A_240, %get3A_241] {strides = array<i32>} : memref<2x112xf32, #tpu.memory_space<vmem>>, vector<1x16xf32>,
        %get3A_243 = vector.shape_cast %get3A_242 : vector<1x16xf32> to vector<16xf32>
        %le3A = vector.broadcast %squeeze3A : f32 to vector<16xf32>
        %le3A_244 = arith.cmpf ole, %le3A, %get3A_243 : vector<16xf32>
        %jit3A = arith.constant 1 : i32
        %jit3A_245 = arith.constant 0 : i32
        %broadcast_in_dim3A_246 = vector.broadcast %jit3A : i32 to vector<16xi32>
        %broadcast_in_dim3A_247 = vector.broadcast %jit3A_245 : i32 to vector<16xi32>
        %select_n3A = arith.select %le3A_244, %broadcast_in_dim3A_246, %broadcast_in_dim3A_247 : vector<16xi1>, vector<16xi32>
        %add3A_248 = arith.addi %scan3A_222, %select_n3A : vector<16xi32>
        %get3A_249 = arith.constant 0 : i32
        %get3A_250 = arith.index_cast %get3A_249 : i32 to index
        %get3A_251 = arith.constant 16 : index
        %get3A_252 = tpu.vector_load %arg5[%get3A_250, %get3A_251] {strides = array<i32>} : memref<2x112xf32, #tpu.memory_space<vmem>>, vector<1x16xf32>,
        %get3A_253 = vector.shape_cast %get3A_252 : vector<1x16xf32> to vector<16xf32>
        %le3A_254 = vector.broadcast %squeeze3A : f32 to vector<16xf32>
        %le3A_255 = arith.cmpf ole, %le3A_254, %get3A_253 : vector<16xf32>
        %jit3A_256 = arith.constant 1 : i32
        %jit3A_257 = arith.constant 0 : i32
        %broadcast_in_dim3A_258 = vector.broadcast %jit3A_256 : i32 to vector<16xi32>
        %broadcast_in_dim3A_259 = vector.broadcast %jit3A_257 : i32 to vector<16xi32>
        %select_n3A_260 = arith.select %le3A_255, %broadcast_in_dim3A_258, %broadcast_in_dim3A_259 : vector<16xi1>, vector<16xi32>
        %add3A_261 = arith.addi %scan3A_223, %select_n3A_260 : vector<16xi32>
        %get3A_262 = arith.constant 0 : i32
        %get3A_263 = arith.index_cast %get3A_262 : i32 to index
        %get3A_264 = arith.constant 32 : index
        %get3A_265 = tpu.vector_load %arg5[%get3A_263, %get3A_264] {strides = array<i32>} : memref<2x112xf32, #tpu.memory_space<vmem>>, vector<1x16xf32>,
        %get3A_266 = vector.shape_cast %get3A_265 : vector<1x16xf32> to vector<16xf32>
        %le3A_267 = vector.broadcast %squeeze3A : f32 to vector<16xf32>
        %le3A_268 = arith.cmpf ole, %le3A_267, %get3A_266 : vector<16xf32>
        %jit3A_269 = arith.constant 1 : i32
        %jit3A_270 = arith.constant 0 : i32
        %broadcast_in_dim3A_271 = vector.broadcast %jit3A_269 : i32 to vector<16xi32>
        %broadcast_in_dim3A_272 = vector.broadcast %jit3A_270 : i32 to vector<16xi32>
        %select_n3A_273 = arith.select %le3A_268, %broadcast_in_dim3A_271, %broadcast_in_dim3A_272 : vector<16xi1>, vector<16xi32>
        %add3A_274 = arith.addi %scan3A_224, %select_n3A_273 : vector<16xi32>
        %get3A_275 = arith.constant 0 : i32
        %get3A_276 = arith.index_cast %get3A_275 : i32 to index
        %get3A_277 = arith.constant 48 : index
        %get3A_278 = tpu.vector_load %arg5[%get3A_276, %get3A_277] {strides = array<i32>} : memref<2x112xf32, #tpu.memory_space<vmem>>, vector<1x16xf32>,
        %get3A_279 = vector.shape_cast %get3A_278 : vector<1x16xf32> to vector<16xf32>
        %le3A_280 = vector.broadcast %squeeze3A : f32 to vector<16xf32>
        %le3A_281 = arith.cmpf ole, %le3A_280, %get3A_279 : vector<16xf32>
        %jit3A_282 = arith.constant 1 : i32
        %jit3A_283 = arith.constant 0 : i32
        %broadcast_in_dim3A_284 = vector.broadcast %jit3A_282 : i32 to vector<16xi32>
        %broadcast_in_dim3A_285 = vector.broadcast %jit3A_283 : i32 to vector<16xi32>
        %select_n3A_286 = arith.select %le3A_281, %broadcast_in_dim3A_284, %broadcast_in_dim3A_285 : vector<16xi1>, vector<16xi32>
        %add3A_287 = arith.addi %scan3A_225, %select_n3A_286 : vector<16xi32>
        %get3A_288 = arith.constant 0 : i32
        %get3A_289 = arith.index_cast %get3A_288 : i32 to index
        %get3A_290 = arith.constant 64 : index
        %get3A_291 = tpu.vector_load %arg5[%get3A_289, %get3A_290] {strides = array<i32>} : memref<2x112xf32, #tpu.memory_space<vmem>>, vector<1x16xf32>,
        %get3A_292 = vector.shape_cast %get3A_291 : vector<1x16xf32> to vector<16xf32>
        %le3A_293 = vector.broadcast %squeeze3A : f32 to vector<16xf32>
        %le3A_294 = arith.cmpf ole, %le3A_293, %get3A_292 : vector<16xf32>
        %jit3A_295 = arith.constant 1 : i32
        %jit3A_296 = arith.constant 0 : i32
        %broadcast_in_dim3A_297 = vector.broadcast %jit3A_295 : i32 to vector<16xi32>
        %broadcast_in_dim3A_298 = vector.broadcast %jit3A_296 : i32 to vector<16xi32>
        %select_n3A_299 = arith.select %le3A_294, %broadcast_in_dim3A_297, %broadcast_in_dim3A_298 : vector<16xi1>, vector<16xi32>
        %add3A_300 = arith.addi %scan3A_226, %select_n3A_299 : vector<16xi32>
        %get3A_301 = arith.constant 0 : i32
        %get3A_302 = arith.index_cast %get3A_301 : i32 to index
        %get3A_303 = arith.constant 80 : index
        %get3A_304 = tpu.vector_load %arg5[%get3A_302, %get3A_303] {strides = array<i32>} : memref<2x112xf32, #tpu.memory_space<vmem>>, vector<1x16xf32>,
        %get3A_305 = vector.shape_cast %get3A_304 : vector<1x16xf32> to vector<16xf32>
        %le3A_306 = vector.broadcast %squeeze3A : f32 to vector<16xf32>
        %le3A_307 = arith.cmpf ole, %le3A_306, %get3A_305 : vector<16xf32>
        %jit3A_308 = arith.constant 1 : i32
        %jit3A_309 = arith.constant 0 : i32
        %broadcast_in_dim3A_310 = vector.broadcast %jit3A_308 : i32 to vector<16xi32>
        %broadcast_in_dim3A_311 = vector.broadcast %jit3A_309 : i32 to vector<16xi32>
        %select_n3A_312 = arith.select %le3A_307, %broadcast_in_dim3A_310, %broadcast_in_dim3A_311 : vector<16xi1>, vector<16xi32>
        %add3A_313 = arith.addi %scan3A_227, %select_n3A_312 : vector<16xi32>
        %get3A_314 = arith.constant 1 : i32
        %get3A_315 = arith.index_cast %get3A_314 : i32 to index
        %get3A_316 = arith.index_cast %scan3A_221 : i32 to index
        %get3A_317 = tpu.vector_load %arg5[%get3A_315, %get3A_316] {strides = array<i32>} : memref<2x112xf32, #tpu.memory_space<vmem>>, vector<1x16xf32>,
        %get3A_318 = vector.shape_cast %get3A_317 : vector<1x16xf32> to vector<16xf32>
        %slice3A_319 = vector.extract_strided_slice %get3A_318 {offsets = [0], sizes = [1], strides = [1]} : vector<16xf32> to vector<1xf32>
        %squeeze3A_320 = vector.extract %slice3A_319[0] : f32 from vector<1xf32>
        %get3A_321 = arith.constant 1 : i32
        %get3A_322 = arith.index_cast %get3A_321 : i32 to index
        %get3A_323 = arith.constant 0 : index
        %get3A_324 = tpu.vector_load %arg5[%get3A_322, %get3A_323] {strides = array<i32>} : memref<2x112xf32, #tpu.memory_space<vmem>>, vector<1x16xf32>,
        %get3A_325 = vector.shape_cast %get3A_324 : vector<1x16xf32> to vector<16xf32>
        %le3A_326 = vector.broadcast %squeeze3A_320 : f32 to vector<16xf32>
        %le3A_327 = arith.cmpf ole, %le3A_326, %get3A_325 : vector<16xf32>
        %jit3A_328 = arith.constant 1 : i32
        %jit3A_329 = arith.constant 0 : i32
        %broadcast_in_dim3A_330 = vector.broadcast %jit3A_328 : i32 to vector<16xi32>
        %broadcast_in_dim3A_331 = vector.broadcast %jit3A_329 : i32 to vector<16xi32>
        %select_n3A_332 = arith.select %le3A_327, %broadcast_in_dim3A_330, %broadcast_in_dim3A_331 : vector<16xi1>, vector<16xi32>
        %add3A_333 = arith.addi %scan3A_228, %select_n3A_332 : vector<16xi32>
        %get3A_334 = arith.constant 1 : i32
        %get3A_335 = arith.index_cast %get3A_334 : i32 to index
        %get3A_336 = arith.constant 16 : index
        %get3A_337 = tpu.vector_load %arg5[%get3A_335, %get3A_336] {strides = array<i32>} : memref<2x112xf32, #tpu.memory_space<vmem>>, vector<1x16xf32>,
        %get3A_338 = vector.shape_cast %get3A_337 : vector<1x16xf32> to vector<16xf32>
        %le3A_339 = vector.broadcast %squeeze3A_320 : f32 to vector<16xf32>
        %le3A_340 = arith.cmpf ole, %le3A_339, %get3A_338 : vector<16xf32>
        %jit3A_341 = arith.constant 1 : i32
        %jit3A_342 = arith.constant 0 : i32
        %broadcast_in_dim3A_343 = vector.broadcast %jit3A_341 : i32 to vector<16xi32>
        %broadcast_in_dim3A_344 = vector.broadcast %jit3A_342 : i32 to vector<16xi32>
        %select_n3A_345 = arith.select %le3A_340, %broadcast_in_dim3A_343, %broadcast_in_dim3A_344 : vector<16xi1>, vector<16xi32>
        %add3A_346 = arith.addi %scan3A_229, %select_n3A_345 : vector<16xi32>
        %get3A_347 = arith.constant 1 : i32
        %get3A_348 = arith.index_cast %get3A_347 : i32 to index
        %get3A_349 = arith.constant 32 : index
        %get3A_350 = tpu.vector_load %arg5[%get3A_348, %get3A_349] {strides = array<i32>} : memref<2x112xf32, #tpu.memory_space<vmem>>, vector<1x16xf32>,
        %get3A_351 = vector.shape_cast %get3A_350 : vector<1x16xf32> to vector<16xf32>
        %le3A_352 = vector.broadcast %squeeze3A_320 : f32 to vector<16xf32>
        %le3A_353 = arith.cmpf ole, %le3A_352, %get3A_351 : vector<16xf32>
        %jit3A_354 = arith.constant 1 : i32
        %jit3A_355 = arith.constant 0 : i32
        %broadcast_in_dim3A_356 = vector.broadcast %jit3A_354 : i32 to vector<16xi32>
        %broadcast_in_dim3A_357 = vector.broadcast %jit3A_355 : i32 to vector<16xi32>
        %select_n3A_358 = arith.select %le3A_353, %broadcast_in_dim3A_356, %broadcast_in_dim3A_357 : vector<16xi1>, vector<16xi32>
        %add3A_359 = arith.addi %scan3A_230, %select_n3A_358 : vector<16xi32>
        %get3A_360 = arith.constant 1 : i32
        %get3A_361 = arith.index_cast %get3A_360 : i32 to index
        %get3A_362 = arith.constant 48 : index
        %get3A_363 = tpu.vector_load %arg5[%get3A_361, %get3A_362] {strides = array<i32>} : memref<2x112xf32, #tpu.memory_space<vmem>>, vector<1x16xf32>,
        %get3A_364 = vector.shape_cast %get3A_363 : vector<1x16xf32> to vector<16xf32>
        %le3A_365 = vector.broadcast %squeeze3A_320 : f32 to vector<16xf32>
        %le3A_366 = arith.cmpf ole, %le3A_365, %get3A_364 : vector<16xf32>
        %jit3A_367 = arith.constant 1 : i32
        %jit3A_368 = arith.constant 0 : i32
        %broadcast_in_dim3A_369 = vector.broadcast %jit3A_367 : i32 to vector<16xi32>
        %broadcast_in_dim3A_370 = vector.broadcast %jit3A_368 : i32 to vector<16xi32>
        %select_n3A_371 = arith.select %le3A_366, %broadcast_in_dim3A_369, %broadcast_in_dim3A_370 : vector<16xi1>, vector<16xi32>
        %add3A_372 = arith.addi %scan3A_231, %select_n3A_371 : vector<16xi32>
        %get3A_373 = arith.constant 1 : i32
        %get3A_374 = arith.index_cast %get3A_373 : i32 to index
        %get3A_375 = arith.constant 64 : index
        %get3A_376 = tpu.vector_load %arg5[%get3A_374, %get3A_375] {strides = array<i32>} : memref<2x112xf32, #tpu.memory_space<vmem>>, vector<1x16xf32>,
        %get3A_377 = vector.shape_cast %get3A_376 : vector<1x16xf32> to vector<16xf32>
        %le3A_378 = vector.broadcast %squeeze3A_320 : f32 to vector<16xf32>
        %le3A_379 = arith.cmpf ole, %le3A_378, %get3A_377 : vector<16xf32>
        %jit3A_380 = arith.constant 1 : i32
        %jit3A_381 = arith.constant 0 : i32
        %broadcast_in_dim3A_382 = vector.broadcast %jit3A_380 : i32 to vector<16xi32>
        %broadcast_in_dim3A_383 = vector.broadcast %jit3A_381 : i32 to vector<16xi32>
        %select_n3A_384 = arith.select %le3A_379, %broadcast_in_dim3A_382, %broadcast_in_dim3A_383 : vector<16xi1>, vector<16xi32>
        %add3A_385 = arith.addi %scan3A_232, %select_n3A_384 : vector<16xi32>
        %get3A_386 = arith.constant 1 : i32
        %get3A_387 = arith.index_cast %get3A_386 : i32 to index
        %get3A_388 = arith.constant 80 : index
        %get3A_389 = tpu.vector_load %arg5[%get3A_387, %get3A_388] {strides = array<i32>} : memref<2x112xf32, #tpu.memory_space<vmem>>, vector<1x16xf32>,
        %get3A_390 = vector.shape_cast %get3A_389 : vector<1x16xf32> to vector<16xf32>
        %le3A_391 = vector.broadcast %squeeze3A_320 : f32 to vector<16xf32>
        %le3A_392 = arith.cmpf ole, %le3A_391, %get3A_390 : vector<16xf32>
        %jit3A_393 = arith.constant 1 : i32
        %jit3A_394 = arith.constant 0 : i32
        %broadcast_in_dim3A_395 = vector.broadcast %jit3A_393 : i32 to vector<16xi32>
        %broadcast_in_dim3A_396 = vector.broadcast %jit3A_394 : i32 to vector<16xi32>
        %select_n3A_397 = arith.select %le3A_392, %broadcast_in_dim3A_395, %broadcast_in_dim3A_396 : vector<16xi1>, vector<16xi32>
        %add3A_398 = arith.addi %scan3A_233, %select_n3A_397 : vector<16xi32>
        scf.yield %add3A_248, %add3A_261, %add3A_274, %add3A_287, %add3A_300, %add3A_313, %add3A_333, %add3A_346, %add3A_359, %add3A_372, %add3A_385, %add3A_398 : vector<16xi32>, vector<16xi32>, vector<16xi32>, vector<16xi32>, vector<16xi32>, vector<16xi32>, vector<16xi32>, vector<16xi32>, vector<16xi32>, vector<16xi32>, vector<16xi32>, vector<16xi32>
      }
      %scan3A_172 = arith.constant 96 : i32
      %swap3A_173 = arith.constant 0 : index
      %swap3A_174 = tpu.vector_load %arg6[%swap3A_173] {strides = array<i32>} : memref<208xi32, #tpu.memory_space<vmem>>, vector<16xi32>,
      %swap3A_175 = vector.shape_cast %swap3A_174 : vector<16xi32> to vector<16xi32>
      %swap3A_176 = vector.shape_cast %scan3A_171#0 : vector<16xi32> to vector<16xi32>
      tpu.vector_store %arg6[%swap3A_173], %swap3A_176 {strides = array<i32>} : memref<208xi32, #tpu.memory_space<vmem>>, vector<16xi32>,
      %swap3A_177 = arith.constant 16 : index
      %swap3A_178 = tpu.vector_load %arg6[%swap3A_177] {strides = array<i32>} : memref<208xi32, #tpu.memory_space<vmem>>, vector<16xi32>,
      %swap3A_179 = vector.shape_cast %swap3A_178 : vector<16xi32> to vector<16xi32>
      %swap3A_180 = vector.shape_cast %scan3A_171#1 : vector<16xi32> to vector<16xi32>
      tpu.vector_store %arg6[%swap3A_177], %swap3A_180 {strides = array<i32>} : memref<208xi32, #tpu.memory_space<vmem>>, vector<16xi32>,
      %swap3A_181 = arith.constant 32 : index
      %swap3A_182 = tpu.vector_load %arg6[%swap3A_181] {strides = array<i32>} : memref<208xi32, #tpu.memory_space<vmem>>, vector<16xi32>,
      %swap3A_183 = vector.shape_cast %swap3A_182 : vector<16xi32> to vector<16xi32>
      %swap3A_184 = vector.shape_cast %scan3A_171#2 : vector<16xi32> to vector<16xi32>
      tpu.vector_store %arg6[%swap3A_181], %swap3A_184 {strides = array<i32>} : memref<208xi32, #tpu.memory_space<vmem>>, vector<16xi32>,
      %swap3A_185 = arith.constant 48 : index
      %swap3A_186 = tpu.vector_load %arg6[%swap3A_185] {strides = array<i32>} : memref<208xi32, #tpu.memory_space<vmem>>, vector<16xi32>,
      %swap3A_187 = vector.shape_cast %swap3A_186 : vector<16xi32> to vector<16xi32>
      %swap3A_188 = vector.shape_cast %scan3A_171#3 : vector<16xi32> to vector<16xi32>
      tpu.vector_store %arg6[%swap3A_185], %swap3A_188 {strides = array<i32>} : memref<208xi32, #tpu.memory_space<vmem>>, vector<16xi32>,
      %swap3A_189 = arith.constant 64 : index
      %swap3A_190 = tpu.vector_load %arg6[%swap3A_189] {strides = array<i32>} : memref<208xi32, #tpu.memory_space<vmem>>, vector<16xi32>,
      %swap3A_191 = vector.shape_cast %swap3A_190 : vector<16xi32> to vector<16xi32>
      %swap3A_192 = vector.shape_cast %scan3A_171#4 : vector<16xi32> to vector<16xi32>
      tpu.vector_store %arg6[%swap3A_189], %swap3A_192 {strides = array<i32>} : memref<208xi32, #tpu.memory_space<vmem>>, vector<16xi32>,
      %swap3A_193 = arith.constant 80 : index
      %swap3A_194 = tpu.vector_load %arg6[%swap3A_193] {strides = array<i32>} : memref<208xi32, #tpu.memory_space<vmem>>, vector<16xi32>,
      %swap3A_195 = vector.shape_cast %swap3A_194 : vector<16xi32> to vector<16xi32>
      %swap3A_196 = vector.shape_cast %scan3A_171#5 : vector<16xi32> to vector<16xi32>
      tpu.vector_store %arg6[%swap3A_193], %swap3A_196 {strides = array<i32>} : memref<208xi32, #tpu.memory_space<vmem>>, vector<16xi32>,
      %swap3A_197 = arith.constant 96 : index
      %swap3A_198 = tpu.vector_load %arg6[%swap3A_197] {strides = array<i32>} : memref<208xi32, #tpu.memory_space<vmem>>, vector<16xi32>,
      %swap3A_199 = vector.shape_cast %swap3A_198 : vector<16xi32> to vector<16xi32>
      %swap3A_200 = vector.shape_cast %scan3A_171#6 : vector<16xi32> to vector<16xi32>
      tpu.vector_store %arg6[%swap3A_197], %swap3A_200 {strides = array<i32>} : memref<208xi32, #tpu.memory_space<vmem>>, vector<16xi32>,
      %swap3A_201 = arith.constant 112 : index
      %swap3A_202 = tpu.vector_load %arg6[%swap3A_201] {strides = array<i32>} : memref<208xi32, #tpu.memory_space<vmem>>, vector<16xi32>,
      %swap3A_203 = vector.shape_cast %swap3A_202 : vector<16xi32> to vector<16xi32>
      %swap3A_204 = vector.shape_cast %scan3A_171#7 : vector<16xi32> to vector<16xi32>
      tpu.vector_store %arg6[%swap3A_201], %swap3A_204 {strides = array<i32>} : memref<208xi32, #tpu.memory_space<vmem>>, vector<16xi32>,
      %swap3A_205 = arith.constant 128 : index
      %swap3A_206 = tpu.vector_load %arg6[%swap3A_205] {strides = array<i32>} : memref<208xi32, #tpu.memory_space<vmem>>, vector<16xi32>,
      %swap3A_207 = vector.shape_cast %swap3A_206 : vector<16xi32> to vector<16xi32>
      %swap3A_208 = vector.shape_cast %scan3A_171#8 : vector<16xi32> to vector<16xi32>
      tpu.vector_store %arg6[%swap3A_205], %swap3A_208 {strides = array<i32>} : memref<208xi32, #tpu.memory_space<vmem>>, vector<16xi32>,
      %swap3A_209 = arith.constant 144 : index
      %swap3A_210 = tpu.vector_load %arg6[%swap3A_209] {strides = array<i32>} : memref<208xi32, #tpu.memory_space<vmem>>, vector<16xi32>,
      %swap3A_211 = vector.shape_cast %swap3A_210 : vector<16xi32> to vector<16xi32>
      %swap3A_212 = vector.shape_cast %scan3A_171#9 : vector<16xi32> to vector<16xi32>
      tpu.vector_store %arg6[%swap3A_209], %swap3A_212 {strides = array<i32>} : memref<208xi32, #tpu.memory_space<vmem>>, vector<16xi32>,
      %swap3A_213 = arith.constant 160 : index
      %swap3A_214 = tpu.vector_load %arg6[%swap3A_213] {strides = array<i32>} : memref<208xi32, #tpu.memory_space<vmem>>, vector<16xi32>,
      %swap3A_215 = vector.shape_cast %swap3A_214 : vector<16xi32> to vector<16xi32>
      %swap3A_216 = vector.shape_cast %scan3A_171#10 : vector<16xi32> to vector<16xi32>
      tpu.vector_store %arg6[%swap3A_213], %swap3A_216 {strides = array<i32>} : memref<208xi32, #tpu.memory_space<vmem>>, vector<16xi32>,
      %swap3A_217 = arith.constant 176 : index
      %swap3A_218 = tpu.vector_load %arg6[%swap3A_217] {strides = array<i32>} : memref<208xi32, #tpu.memory_space<vmem>>, vector<16xi32>,
      %swap3A_219 = vector.shape_cast %swap3A_218 : vector<16xi32> to vector<16xi32>
      %swap3A_220 = vector.shape_cast %scan3A_171#11 : vector<16xi32> to vector<16xi32>
      tpu.vector_store %arg6[%swap3A_217], %swap3A_220 {strides = array<i32>} : memref<208xi32, #tpu.memory_space<vmem>>, vector<16xi32>,
      "tpu.region"() ({
        %run_scoped3A_221 = tpu.sem_alloc : memref<!tpu.dma_semaphore, #tpu.memory_space<semaphore_mem>>
        %dma_start3A = arith.constant 0 : i32
        %dma_start3A_222 = tpu.memref_slice %arg6[%dma_start3A] : memref<208xi32, #tpu.memory_space<vmem>> -> memref<192xi32, #tpu.memory_space<vmem>>
        %dma_start3A_223 = arith.constant 0 : i32
        %dma_start3A_224 = tpu.memref_slice %arg6[%dma_start3A_223] : memref<208xi32, #tpu.memory_space<vmem>> -> memref<192xi32, #tpu.memory_space<vmem>>
        tpu.enqueue_dma source(%dma_start3A_224 : memref<192xi32, #tpu.memory_space<vmem>>) target(%arg4 : memref<192xi32, #tpu.memory_space<hbm>>) target_semaphore(%run_scoped3A_221 : memref<!tpu.dma_semaphore, #tpu.memory_space<semaphore_mem>>)
        %dma_wait3A = arith.constant 0 : i32
        %dma_wait3A_225 = tpu.memref_slice %arg6[%dma_wait3A] : memref<208xi32, #tpu.memory_space<vmem>> -> memref<192xi32, #tpu.memory_space<vmem>>
        %dma_wait3A_226 = arith.constant 0 : i32
        %dma_wait3A_227 = tpu.memref_slice %arg6[%dma_wait3A_226] : memref<208xi32, #tpu.memory_space<vmem>> -> memref<192xi32, #tpu.memory_space<vmem>>
        tpu.wait_dma2 semaphore(%run_scoped3A_221 : memref<!tpu.dma_semaphore, #tpu.memory_space<semaphore_mem>>) src(%dma_wait3A_227 : memref<192xi32, #tpu.memory_space<vmem>>) dst(%arg4 : memref<192xi32, #tpu.memory_space<hbm>>)
        tpu.yield
      }) : () -> ()
    } else {
    }
    return
  }
}

module attributes {stable_mosaic.version = 14 : i64} {
  func.func @_tc_body(%arg0: i32, %arg1: memref<32x224x224xf32, #tpu.memory_space<vmem>>, %arg2: memref<32x224x224xf32, #tpu.memory_space<vmem>>, %arg3: memref<32x1xi32, #tpu.memory_space<vmem>>, %arg4: memref<32x1xi32, #tpu.memory_space<vmem>>, %arg5: memref<32x224x224xf32, #tpu.memory_space<vmem>>, %arg6: memref<32x224x224xf32, #tpu.memory_space<vmem>>) attributes {dimension_semantics = [#tpu.dimension_semantics<arbitrary>], iteration_bounds = array<i64: 12>, scalar_prefetch = 0 : i64, scratch_operands = 0 : i64, tpu.core_type = #tpu.core_type<tc>, window_params = [{transform_indices = @transform_0, window_bounds = array<i64: 32, 224, 224>}, {transform_indices = @transform_1, window_bounds = array<i64: 32, 224, 224>}, {transform_indices = @transform_2, window_bounds = array<i64: 32, 1>}, {transform_indices = @transform_3, window_bounds = array<i64: 32, 1>}, {transform_indices = @transform_4, window_bounds = array<i64: 32, 224, 224>}, {transform_indices = @transform_5, window_bounds = array<i64: 32, 224, 224>}]} {
    %get3A = arith.constant 0 : index
    %get3A_0 = arith.constant 0 : index
    %get3A_1 = vector.load %arg3[%get3A, %get3A_0] : memref<32x1xi32, #tpu.memory_space<vmem>>, vector<32x1xi32>
    %ge3A = arith.constant 25 : i32
    %ge3A_2 = vector.broadcast %ge3A : i32 to vector<32x1xi32>
    %ge3A_3 = arith.cmpi sge, %get3A_1, %ge3A_2 : vector<32x1xi32>
    %reshape3A = vector.shape_cast %ge3A_3 : vector<32x1xi1> to vector<32x1x1xi1>
    %get3A_4 = arith.constant 0 : index
    %get3A_5 = arith.constant 0 : index
    %get3A_6 = vector.load %arg4[%get3A_4, %get3A_5] : memref<32x1xi32, #tpu.memory_space<vmem>>, vector<32x1xi32>
    %ge3A_7 = arith.constant 25 : i32
    %ge3A_8 = vector.broadcast %ge3A_7 : i32 to vector<32x1xi32>
    %ge3A_9 = arith.cmpi sge, %get3A_6, %ge3A_8 : vector<32x1xi32>
    %reshape3A_10 = vector.shape_cast %ge3A_9 : vector<32x1xi1> to vector<32x1x1xi1>
    %get3A_11 = arith.constant 0 : index
    %get3A_12 = arith.constant 0 : index
    %get3A_13 = arith.constant 0 : index
    %get3A_14 = vector.load %arg1[%get3A_11, %get3A_12, %get3A_13] : memref<32x224x224xf32, #tpu.memory_space<vmem>>, vector<32x224x224xf32>
    %get3A_15 = arith.constant 0 : index
    %get3A_16 = arith.constant 0 : index
    %get3A_17 = arith.constant 0 : index
    %get3A_18 = vector.load %arg2[%get3A_15, %get3A_16, %get3A_17] : memref<32x224x224xf32, #tpu.memory_space<vmem>>, vector<32x224x224xf32>
    %broadcast_in_dim3A = vector.shape_cast %reshape3A : vector<32x1x1xi1> to vector<32x1x1xi1>
    %broadcast_in_dim3A_19 = vector.broadcast %broadcast_in_dim3A : vector<32x1x1xi1> to vector<32x224x224xi1>
    %select_n3A = arith.select %broadcast_in_dim3A_19, %get3A_14, %get3A_18 : vector<32x224x224xi1>, vector<32x224x224xf32>
    %swap3A = arith.constant 0 : index
    %swap3A_20 = arith.constant 0 : index
    %swap3A_21 = arith.constant 0 : index
    %swap3A_22 = vector.load %arg5[%swap3A, %swap3A_20, %swap3A_21] : memref<32x224x224xf32, #tpu.memory_space<vmem>>, vector<32x224x224xf32>
    tpu.vector_store %arg5[%swap3A, %swap3A_20, %swap3A_21], %select_n3A {strides = array<i32>} : memref<32x224x224xf32, #tpu.memory_space<vmem>>, vector<32x224x224xf32>,
    %broadcast_in_dim3A_23 = vector.shape_cast %reshape3A_10 : vector<32x1x1xi1> to vector<32x1x1xi1>
    %broadcast_in_dim3A_24 = vector.broadcast %broadcast_in_dim3A_23 : vector<32x1x1xi1> to vector<32x224x224xi1>
    %select_n3A_25 = arith.select %broadcast_in_dim3A_24, %get3A_18, %get3A_14 : vector<32x224x224xi1>, vector<32x224x224xf32>
    %swap3A_26 = arith.constant 0 : index
    %swap3A_27 = arith.constant 0 : index
    %swap3A_28 = arith.constant 0 : index
    %swap3A_29 = vector.load %arg6[%swap3A_26, %swap3A_27, %swap3A_28] : memref<32x224x224xf32, #tpu.memory_space<vmem>>, vector<32x224x224xf32>
    tpu.vector_store %arg6[%swap3A_26, %swap3A_27, %swap3A_28], %select_n3A_25 {strides = array<i32>} : memref<32x224x224xf32, #tpu.memory_space<vmem>>, vector<32x224x224xf32>,
    return
  }
  func.func @transform_0(%arg0: i32) -> (i32, i32, i32) {
    %c0_i32 = arith.constant 0 : i32
    %c0_i32_0 = arith.constant 0 : i32
    %c0_i32_1 = arith.constant 0 : i32
    return %arg0, %c0_i32, %c0_i32_0 : i32, i32, i32
  }
  func.func @transform_1(%arg0: i32) -> (i32, i32, i32) {
    %c0_i32 = arith.constant 0 : i32
    %c0_i32_0 = arith.constant 0 : i32
    %c0_i32_1 = arith.constant 0 : i32
    return %arg0, %c0_i32, %c0_i32_0 : i32, i32, i32
  }
  func.func @transform_2(%arg0: i32) -> (i32, i32) {
    %jit3A = arith.constant 3 : i32
    %eq3A = arith.constant 0 : i32
    %eq3A_0 = arith.cmpi eq, %jit3A, %eq3A : i32
    %jit3A_1 = arith.constant 1 : i32
    %select_n3A = arith.select %eq3A_0, %jit3A_1, %jit3A : i32
    %rem3A = arith.remsi %arg0, %select_n3A : i32
    %ne3A = arith.constant 0 : i32
    %ne3A_2 = arith.cmpi ne, %rem3A, %ne3A : i32
    %lt3A = arith.constant 0 : i32
    %lt3A_3 = arith.cmpi slt, %rem3A, %lt3A : i32
    %lt3A_4 = arith.constant 0 : i32
    %lt3A_5 = arith.cmpi slt, %select_n3A, %lt3A_4 : i32
    %ne3A_6 = arith.xori %lt3A_3, %lt3A_5 : i1
    %and3A = arith.andi %ne3A_6, %ne3A_2 : i1
    %add3A = arith.addi %rem3A, %select_n3A : i32
    %select_n3A_7 = arith.select %and3A, %add3A, %rem3A : i32
    %c0_i32 = arith.constant 0 : i32
    %c0_i32_8 = arith.constant 0 : i32
    return %select_n3A_7, %c0_i32 : i32, i32
  }
  func.func @transform_3(%arg0: i32) -> (i32, i32) {
    %jit3A = arith.constant 3 : i32
    %eq3A = arith.constant 0 : i32
    %eq3A_0 = arith.cmpi eq, %jit3A, %eq3A : i32
    %jit3A_1 = arith.constant 1 : i32
    %select_n3A = arith.select %eq3A_0, %jit3A_1, %jit3A : i32
    %rem3A = arith.remsi %arg0, %select_n3A : i32
    %ne3A = arith.constant 0 : i32
    %ne3A_2 = arith.cmpi ne, %rem3A, %ne3A : i32
    %lt3A = arith.constant 0 : i32
    %lt3A_3 = arith.cmpi slt, %rem3A, %lt3A : i32
    %lt3A_4 = arith.constant 0 : i32
    %lt3A_5 = arith.cmpi slt, %select_n3A, %lt3A_4 : i32
    %ne3A_6 = arith.xori %lt3A_3, %lt3A_5 : i1
    %and3A = arith.andi %ne3A_6, %ne3A_2 : i1
    %add3A = arith.addi %rem3A, %select_n3A : i32
    %select_n3A_7 = arith.select %and3A, %add3A, %rem3A : i32
    %add3A_8 = arith.constant 3 : i32
    %add3A_9 = arith.addi %add3A_8, %select_n3A_7 : i32
    %c0_i32 = arith.constant 0 : i32
    %c0_i32_10 = arith.constant 0 : i32
    return %add3A_9, %c0_i32 : i32, i32
  }
  func.func @transform_4(%arg0: i32) -> (i32, i32, i32) {
    %c0_i32 = arith.constant 0 : i32
    %c0_i32_0 = arith.constant 0 : i32
    %c0_i32_1 = arith.constant 0 : i32
    return %arg0, %c0_i32, %c0_i32_0 : i32, i32, i32
  }
  func.func @transform_5(%arg0: i32) -> (i32, i32, i32) {
    %c0_i32 = arith.constant 0 : i32
    %c0_i32_0 = arith.constant 0 : i32
    %c0_i32_1 = arith.constant 0 : i32
    return %arg0, %c0_i32, %c0_i32_0 : i32, i32, i32
  }
}

</mosaic_0001>

<sc_bundles>
// kernel: kernel.4.cloned.1.call-start
scs
__scs_entry_jumppad:
0x0: {  	(pc) =	sbr.rel $0x88, $3  }
0x1: {  	(tag) =	ssettag $0x0;
	lr =	simm.s32 $0x1  }
0x2: {  	[smem:$0x3F9D] =	sst lr;
	_ =	strace $0xD0000000  }
0x3: {  	_ = 	snop  }
0x4: {  	_ = 	snop  }
0x5: {  	_ = 	snop  }
0x6: {  	_ = 	snop  }
0x7: {  	_ = 	snop  }
__scs_overlays_trampoline_lowered:
0x8: {  	[smem:$0x3FAC] =	sst s0  }
0x9: {  	[smem:$0x3FAD] =	sst s1  }
0xa: {  	[smem:$0x3FAE] =	sst s2  }
0xb: {  	[smem:$0x3FAF] =	sst s3  }
0xc: {  	[smem:$0x3FB0] =	sst s4  }
0xd: {  	[smem:$0x3FB1] =	sst s5  }
0xe: {  	[smem:$0x3FB2] =	sst s6  }
0xf: {  	[smem:$0x3FB3] =	sst s7  }
0x10: {  	[smem:$0x3FB4] =	sst s8  }
0x11: {  	[smem:$0x3FB5] =	sst s9;
	s0 =	simm.s32 @!p0 $0x0  }
0x12: {  	s1 =	sld [smem:$0x3F9B];
	s0 =	simm.s32 @p0 $0x1  }
0x13: {  	[smem:$0x3FB6] =	sst s0;
	s0 =	simm.s32 @!p1 $0x0  }
0x14: {  	s2 =	sld [smem:$0x3F9A];
	s0 =	simm.s32 @p1 $0x1  }
0x15: {  	[smem:$0x3FB7] =	sst s0;
	s0 =	simm.s32 @!p2 $0x0  }
0x16: {  	s3 =	sld [smem:$0x3FDB];
	s0 =	simm.s32 @p2 $0x1  }
0x17: {  	s4 =	simm.s32 $0x1BF5;
	[smem:$0x3FB9] =	sst s0  }
0x18: {  	s0 =	sld [smem:$0x3F9C];
	_ =	swait.ge [sflag:s4], $0x0  }
0x19: {  	s7 =	sld [smem:$0x3F9D]  }
0x1a: {  	s8 =	sadd.s32 $0xFFFFE003, lr  }
0x1b: {  	s9 =	sadd.s32 $0xFFFFFEF7, lr;
	s5 =	simm.s32 $0xFFFFFFFF;
	p2 =	slt.u32 s8, $0xFFFFF086  }
0x1c: {  	p1 =	slt.u32 s9, $0xF7A;
	s5 =	simm.s32 @!p2 $0x0  }
0x1d: {  	s5 =	simm.s32 @p1 $0x1;
	p0 =	seq.s32 s7, s2  }
0x1e: {  	s7 =	smul.u32 @!p0 $0xF7A, s2;
	p2 =	seq.s32 @!p0 s5, $0x0  }
0x1f: {  	s9 =	smul.u32 $0xF7A, s1;
	s8 =	simm.s32 @!p0 $0x1BF5;
	p2 =	por !p2, p0  }
0x20: {  	[sflag:s8] =	ssyncset.s32 @!p0 $0xFFFFF086;
	s6 =	sadd.s32 @!p0 s3, s7;
	s7 =	simm.s32 @!p0 $0x108  }
0x21: {  	s3 =	sadd.s32 s3, s9;
	s6 =	sadd.s32 @!p0 $0x88, s6;
	s7 =	simm.s32 @p2 $0x1082  }
0x22: {  	[simem:s7], [sflag:s8] =	dma.local @!p0 [hbm:s6], $0xF7A  }
0x23: {  	s9 =	sor.u32 $0xD0000000, s2;
	s6 =	simm.s32 $0x108;
	_ =	swait.ge @!p0 [sflag:s8], $0x0  }
0x24: {  	s3 =	sadd.s32 $0x88, s3;
	s6 =	simm.s32 @!p1 $0x1082;
	[sflag:s4] =	ssyncset.s32 $0xFFFFF086  }
0x25: {  	[simem:s6], [sflag:s4] =	dma.local [hbm:s3], $0xF7A  }
0x26: {  	[smem:$0x3F9D] =	sst s1;
	(tag) =	ssettag s2;
	_ =	strace s9  }
0x27: {  	s1 =	sld [smem:$0x3FAD]  }
0x28: {  	s2 =	sld [smem:$0x3FAE]  }
0x29: {  	s4 =	sld [smem:$0x3FB0]  }
0x2a: {  	p0 =	seq.s32 s5, $0x0;
	s5 =	sld [smem:$0x3FB1]  }
0x2b: {  	s6 =	sld [smem:$0x3FB2]  }
0x2c: {  	s7 =	sld [smem:$0x3FB3]  }
0x2d: {  	s3 =	simm.s32 $0x108;
	s8 =	sld [smem:$0x3FB4]  }
0x2e: {  	s3 =	simm.s32 @!p0 $0x1082;
	s9 =	sld [smem:$0x3FB5]  }
0x2f: {  	lr =	sadd.s32 s0, s3;
	s0 =	sld [smem:$0x3FAC]  }
0x30: {  	s3 =	sld [smem:$0x3FAF]  }
0x31: {  	[smem:$0x3FB8] =	sst s10  }
0x32: {  	s10 =	sld [smem:$0x3FB6];
	_ =	sdelay $0x3  }
0x33: {  	p0 =	seq.s32 s10, $0x1;
	s10 =	sld [smem:$0x3FB8];
	_ =	sdelay $0x3  }
0x34: {  	[smem:$0x3FB8] =	sst s10  }
0x35: {  	s10 =	sld [smem:$0x3FB7];
	_ =	sdelay $0x3  }
0x36: {  	p1 =	seq.s32 s10, $0x1;
	s10 =	sld [smem:$0x3FB8];
	_ =	sdelay $0x3  }
0x37: {  	[smem:$0x3FB8] =	sst s10  }
0x38: {  	s10 =	sld [smem:$0x3FB9]  }
0x39: {  	_ = 	snop;
	(pc) =	sbr.ind lr, $3  }
0x3a: {  	_ = 	snop  }
0x3b: {  	_ = 	snop  }
0x3c: {  	p2 =	seq.s32 s10, $0x1;
	s10 =	sld [smem:$0x3FB8]  }
0x3d: {  	_ =	shalt  }
0x3e: {  	_ =	shalt  }
0x3f: {  	_ =	shalt  }
0x40: {  	_ =	shalt  }
0x41: {  	_ =	shalt  }
0x42: {  	_ =	shalt  }
0x43: {  	_ =	shalt  }
0x44: {  	_ =	shalt  }
0x45: {  	_ =	shalt  }
0x46: {  	_ =	shalt  }
0x47: {  	_ =	shalt  }
0x48: {  	_ =	shalt  }
0x49: {  	_ =	shalt  }
0x4a: {  	_ =	shalt  }
0x4b: {  	_ =	shalt  }
0x4c: {  	_ =	shalt  }
0x4d: {  	_ =	shalt  }
0x4e: {  	_ =	shalt  }
0x4f: {  	_ =	shalt  }
0x50: {  	_ =	shalt  }
0x51: {  	_ =	shalt  }
0x52: {  	_ =	shalt  }
0x53: {  	_ =	shalt  }
0x54: {  	_ =	shalt  }
0x55: {  	_ =	shalt  }
0x56: {  	_ =	shalt  }
0x57: {  	_ =	shalt  }
0x58: {  	_ =	shalt  }
0x59: {  	_ =	shalt  }
0x5a: {  	_ =	shalt  }
0x5b: {  	_ =	shalt  }
0x5c: {  	_ =	shalt  }
0x5d: {  	_ =	shalt  }
0x5e: {  	_ =	shalt  }
0x5f: {  	_ =	shalt  }
0x60: {  	_ =	shalt  }
0x61: {  	_ =	shalt  }
0x62: {  	_ =	shalt  }
0x63: {  	_ =	shalt  }
0x64: {  	_ =	shalt  }
0x65: {  	_ =	shalt  }
0x66: {  	_ =	shalt  }
0x67: {  	_ =	shalt  }
0x68: {  	_ =	shalt  }
0x69: {  	_ =	shalt  }
0x6a: {  	_ =	shalt  }
0x6b: {  	_ =	shalt  }
0x6c: {  	_ =	shalt  }
0x6d: {  	_ =	shalt  }
0x6e: {  	_ =	shalt  }
0x6f: {  	_ =	shalt  }
0x70: {  	_ =	shalt  }
0x71: {  	_ =	shalt  }
0x72: {  	_ =	shalt  }
0x73: {  	_ =	shalt  }
0x74: {  	_ =	shalt  }
0x75: {  	_ =	shalt  }
0x76: {  	_ =	shalt  }
0x77: {  	_ =	shalt  }
0x78: {  	_ =	shalt  }
0x79: {  	_ =	shalt  }
0x7a: {  	_ =	shalt  }
0x7b: {  	_ =	shalt  }
0x7c: {  	_ =	shalt  }
0x7d: {  	_ =	shalt  }
0x7e: {  	_ =	shalt  }
0x7f: {  	_ =	shalt  }
0x80: {  	_ =	shalt  }
0x81: {  	_ =	shalt  }
0x82: {  	_ =	shalt  }
0x83: {  	_ =	shalt  }
0x84: {  	_ =	shalt  }
0x85: {  	_ =	shalt  }
0x86: {  	_ =	shalt  }
0x87: {  	_ =	shalt  }
.Lfunc_end0:
.L_simem_size_0:
called_computation_lowered:
.L_overlay_start_0:
0x88: {  	s2 =	sld [smem:$0x3FD9]  }
0x89: {  	s3 =	sld [smem:$0x3FFE];
	_ =	sdelay $0x1  }
0x8a: {  	s1 =	srdreg.scid  }
0x8b: {  	s0 =	sand.u32 $0x1, s1  }
0x8c: {  	s15 =	sshll.u32 s0, $0xA;
	s2 =	sadd.s32 s3, s2  }
0x8d: {  	s2 =	sadd.s32 s2, s15  }
0x8e: {  	[smem:$0x3FC4] =	sst s2  }
0x8f: {  	_ = 	snop  }
0x90: {  	s2 =	sld [smem:$0x3FD0];
	_ =	sdelay $0x1  }
0x91: {  	s16 =	sld [smem:$0x3FC7]  }
0x92: {  	s5 =	simm.s32 $0xA;
	s6 =	simm.s32 $0x10;
	s4 =	sld [smem:$0x3FC6]  }
0x93: {  	[smem:s6], [sflag:s5] =	dma.local [hbm:s2], $0x1  }
0x94: {  	_ =	swait.eq [sflag:s5], $0x1  }
0x95: {  	[sflag:s5] =	ssyncset.done $0x0  }
0x96: {  	[sflag:s5] =	ssyncadd.s32 $0xFFFFFFFF  }
0x97: {  	s17 =	sld [smem:$0x11];
	(tm) =	ssettm $0x1  }
0x98: {  	s18 =	sld [smem:$0x3FFB];
	_ =	sdelay $0x3  }
0x99: {  	_ =	strace s18  }
0x9a: {  	s5 =	sld [smem:$0x3FFC];
	_ =	sdelay $0x3  }
0x9b: {  	_ =	strace s5  }
0x9c: {  	s5 =	sld [smem:$0x3FFD];
	_ =	sdelay $0x3  }
0x9d: {  	_ =	strace s5  }
0x9e: {  	_ =	strace $0x8FFFFFFF  }
0x9f: {  	s19 =	sld [smem:$0x3FDB];
	_ =	sdelay $0x1  }
0xa0: {  	s20 =	simm.s32 $_scs_section_size  }
0xa1: {  	s7 =	simm.s32 $_size__tile_overlayer_lowered;
	s8 =	simm.s32 $_tile_overlayer_lowered  }
0xa2: {  	s23 =	simm.s32 $0x1BFF;
	s22 =	sshll.u32 s8, $0x1;
	s5 =	sadd.s32 s20, s19  }
0xa3: {  	s9 =	simm.s32 $0x0;
	s21 =	sshll.u32 s7, $0x1;
	s7 =	sadd.s32 s22, s5  }
0xa4: {  	[timem:s9], [sflag:s23] =	dma.local [hbm:s7], s21  }
0xa5: {  	_ =	swait.ge [sflag:s23], s21  }
0xa6: {  	s6 =	ssub.s32 $0x0, s21;
	[sflag:s23] =	ssyncset.done $0x0  }
0xa7: {  	[sflag:s23] =	ssyncadd.s32 s6;
	_ =	sdelay $0x1  }
0xa8: {  	s24 =	simm.s32 $0x1B8B  }
0xa9: {  	_ =	swait.ge [sflag:s24], $0x1  }
0xaa: {  	[sflag:s24] =	ssyncset.done $0x0  }
0xab: {  	s25 =	simm.s32 $0x1B8E;
	[sflag:s24] =	ssyncadd.s32 $0xFFFFFFFF  }
0xac: {  	s26 =	simm.s32 $execute0_lowered;
	[smem:$0x3FD2] =	sst s25  }
0xad: {  	s6 =	sshll.u32 s26, $0x1;
	_ =	strace $0x80000046;
	[dreg:$0x1] =	wrdreg $0xFFFFFFFF  }
0xae: {  	s28 =	simm.s32 $_size_execute0_lowered;
	s5 =	sadd.s32 s5, s6;
	[dreg:$0x0] =	wrdreg $0x0  }
0xaf: {  	s6 =	sshll.u32 s28, $0x1;
	[dreg:$0x2] =	wrdreg s5  }
0xb0: {  	[dreg:$0x3] =	wrdreg s6  }
0xb1: {  	[dreg:$0x4] =	wrdreg $0xC0  }
0xb2: {  	_ =	task [dreg:s9], $0x5FFFF  }
0xb3: {  	[dreg:$0x1] =	wrdreg $0xFFFFFFFF  }
0xb4: {  	[dreg:$0x0] =	wrdreg $0x60  }
0xb5: {  	[dreg:$0x2] =	wrdreg s16  }
0xb6: {  	[dreg:$0x3] =	wrdreg s4  }
0xb7: {  	[dreg:$0x4] =	wrdreg s17  }
0xb8: {  	[dreg:$0x5] =	wrdreg $0x9  }
0xb9: {  	_ =	task.clear_ibuf [dreg:s9], $0x6FFFF;
	_ =	strace $0x90000046  }
0xba: {  	s29 =	simm.s32 $0x9;
	_ =	strace $0x80000048  }
0xbb: {  	_ =	swait.ge [sflag:s29], $0x1  }
0xbc: {  	[sflag:s29] =	ssyncadd.s32 $0xFFFFFFFF  }
0xbd: {  	_ =	strace $0x90000048  }
0xbe: {  	_ =	sfence  }
0xbf: {  	s30 =	sld [smem:$0x0];
	_ =	sdelay $0x2  }
0xc0: {  	s31 =	sshll.u32 s1, $0xD;
	s1 =	sshrl.u32 s1, $0x2  }
0xc1: {  	s3 =	sand.u32 $0x4000, s31;
	s1 =	sadd.s32 s1, s30  }
0xc2: {  	s0 =	sor.u32 s3, s0;
	s1 =	sshll.u32 s1, $0x11  }
0xc3: {  	s0 =	sor.u32 s1, s0  }
0xc4: {  	s0 =	sadd.s32 $0x8F2B, s0  }
0xc5: {  	[sflag:s0] =	ssyncadd.remote.s32 $0x1  }
0xc6: {  	_ =	sfence.sel $0xFFFF  }
0xc7: {  	[dreg:$0x0] =	wrdreg $0xFFFFFFFF;
	(pc) =	sbr.abs _section_cstart, $3  }
0xc8: {  	[dreg:$0x1] =	wrdreg $0xFFFFFFFF  }
0xc9: {  	_ =	task.clear_ibuf [dreg:s9], $0x2FFFF;
	_ =	strace $0x9FFFFFFF  }
0xca: {  	(tm) =	ssettm $0x7FFFFFFF  }
0xcb: {  	_ =	shalt  }
tec
execute0_lowered:
.L_overlay_start_1:
0x0: {  	(tag) =	ssettag $0x1  }
0x1: {  	s0 =	srdreg.scid  }
0x2: {  	s5 =	sand.u32 $0x1, s0;
	s0 =	stileid.u32  }
0x3: {  	s6 =	sshll.u32 s5, $0x4;
	s7 =	ssub.s32 $0x0, s0  }
0x4: {  	p0 =	sne.s32 s6, s7  }
.Ltmp0:
0x5: {  	_ = 	snop;
	(pc) =	sbr.rel @p0 .LBB2_5-.Ltmp0, $4  }
0x6: {  	s1 =	rddreg [dreg:$0x0]  }
0x7: {  	s3 =	rddreg [dreg:$0x1]  }
0x8: {  	s4 =	rddreg [dreg:$0x2]  }
0x9: {  	s2 =	rddreg [dreg:$0x3];
	_ =	strace $0x80000047  }
0xa: {  	s5 =	ssub.s32 $0x2, s5  }
0xb: {  	s7 =	simm.s32 $0x1;
	s6 =	sshrl.u32 s5, $0x1  }
0xc: {  	s8 =	simm.s32 $0x80;
	s9 =	simm.s32 $0x100;
	s5 =	ssub.s32 s5, s6  }
0xd: {  	v0 =	vimm.s32 $0x0;
	s10 =	simm.s32 $0x0;
	s6 =	simm.s32 $0x0;
	s5 =	smax.u32 s5, $0x1  }
.LBB2_2:
0xe: {  	[tilespmem:s6], [sflag:$0x1] =	stream.linear.gather [hbm4b:s1+s6], $0x60, $0x38;
	[tilespmem:$0x200] =	vst v63  }
0xf: {  	_ =	swait.ge [sflag:s7], $0x60  }
0x10: {  	[sflag:s7] =	ssyncset.done $0x0  }
0x11: {  	[sflag:s7] =	ssyncadd.s32 $0xFFFFFFA0  }
0x12: {  	[tilespmem:s8], [sflag:$0x1] =	stream.linear.gather [hbm4b:s3+s6], $0x60, $0x38;
	[tilespmem:$0x200] =	vst v63  }
0x13: {  	_ =	swait.ge [sflag:s7], $0x60  }
0x14: {  	[sflag:s7] =	ssyncset.done $0x0  }
0x15: {  	[sflag:s7] =	ssyncadd.s32 $0xFFFFFFA0  }
0x16: {  	v1 =	vld [tilespmem:$0x0]  }
0x17: {  	v2 =	vld [tilespmem:$0x10]  }
0x18: {  	v3 =	vld [tilespmem:$0x20]  }
0x19: {  	v4 =	vld [tilespmem:$0x30]  }
0x1a: {  	v5 =	vld [tilespmem:$0x40]  }
0x1b: {  	v9 =	vand.u32 $0x7FFFFFFF, v1;
	v1 =	vld [tilespmem:$0x50]  }
0x1c: {  	v10 =	vand.u32 $0x7FFFFFFF, v2;
	v2 =	vld [tilespmem:$0x80];
	[tilespmem:$0x0] =	vst v9  }
0x1d: {  	v12 =	vand.u32 $0x7FFFFFFF, v3;
	v3 =	vld [tilespmem:$0x90];
	[tilespmem:$0x10] =	vst v10  }
0x1e: {  	v13 =	vand.u32 $0x7FFFFFFF, v4;
	v4 =	vld [tilespmem:$0xA0];
	[tilespmem:$0x20] =	vst v12  }
0x1f: {  	v11 =	vand.u32 $0x7FFFFFFF, v5;
	v5 =	vld [tilespmem:$0xB0];
	[tilespmem:$0x30] =	vst v13  }
0x20: {  	[tilespmem:$0x40] =	vst v11;
	v8 =	vand.u32 $0x7FFFFFFF, v1;
	v1 =	vld [tilespmem:$0xC0]  }
0x21: {  	v14 =	vld [tilespmem:$0xD0];
	v7 =	vand.u32 $0x7FFFFFFF, v2;
	[tilespmem:$0x50] =	vst v8  }
0x22: {  	v6 =	vand.u32 $0x7FFFFFFF, v3;
	[tilespmem:$0x80] =	vst v7  }
0x23: {  	v4 =	vand.u32 $0x7FFFFFFF, v4;
	[tilespmem:$0x90] =	vst v6  }
0x24: {  	v3 =	vand.u32 $0x7FFFFFFF, v5;
	[tilespmem:$0xA0] =	vst v4  }
0x25: {  	[tilespmem:$0xB0] =	vst v3;
	v2 =	vand.u32 $0x7FFFFFFF, v1  }
0x26: {  	v1 =	vand.u32 $0x7FFFFFFF, v14;
	[tilespmem:$0xC0] =	vst v2  }
0x27: {  	s11 =	simm.s32 $0x0;
	[tilespmem:$0xD0] =	vst v1  }
0x28: {  	v14 =	vld.msk [tilespmem:s11+$0x80 ss:$0x0], $0xffff  }
0x29: {  	v15 =	vld.msk [tilespmem:s11+$0x0 ss:$0x0], $0xffff  }
0x2a: {  	v21 =	vimm.s32 $0x0;
	v22 =	vimm.s32 $0x0  }
0x2b: {  	v16 =	vimm.s32 $0x0;
	v17 =	vimm.s32 $0x0;
	v18 =	vimm.s32 $0x0  }
0x2c: {  	v19 =	vimm.s32 $0x0;
	v23 =	vimm.s32 $0x0;
	v24 =	vimm.s32 $0x0  }
0x2d: {  	v20 =	vimm.s32 $0x0;
	vm1 =	vle.f32 v14, v7;
	vm0 =	vle.f32 v14, v6  }
0x2e: {  	vm2 =	vle.f32 v14, v1;
	vm4 =	vle.f32 v15, v9;
	vm7 =	vle.f32 v15, v10  }
0x2f: {  	vm8 =	vle.f32 v15, v12;
	vm9 =	vle.f32 v15, v13;
	vm5 =	vle.f32 v15, v11  }
0x30: {  	vm6 =	vle.f32 v15, v8;
	vm3 =	vle.f32 v14, v4;
	v15 =	vimm.s32 $0x0  }
0x31: {  	v5 =	vsel vm2, $0x1, v0;
	v25 =	vsel vm4, $0x1, v0;
	vm4 =	vle.f32 v14, v3  }
0x32: {  	vm2 =	vle.f32 v14, v2;
	v28 =	vsel vm7, $0x1, v0;
	v26 =	vsel vm8, $0x1, v0  }
0x33: {  	s12 =	simm.s32 $0x1;
	s11 =	simm.s32 $0x8;
	v27 =	vsel vm9, $0x1, v0;
	v14 =	vimm.s32 $0x0;
	v5 =	vadd.s32 v5, v0  }
.LBB2_3:
0x34: {  	p0 =	sne.s32 s11, $0x17C;
	v29 =	vld.msk [tilespmem:s12+$0x80 ss:$0x0], $0xffff;
	v30 =	vsel vm5, $0x1, v0;
	v31 =	vsel vm6, $0x1, v0;
	v32 =	vsel vm1, $0x1, v0  }
0x35: {  	v34 =	vsel vm0, $0x1, v0;
	v35 =	vsel vm3, $0x1, v0;
	v36 =	vsel vm4, $0x1, v0;
	v33 =	vld.msk [tilespmem:s12+$0x0 ss:$0x0], $0xffff  }
0x36: {  	v21 =	vadd.s32 v25, v21;
	v22 =	vadd.s32 v28, v22;
	v25 =	vsel vm2, $0x1, v0  }
0x37: {  	v14 =	vadd.s32 v26, v14;
	v15 =	vadd.s32 v27, v15;
	v16 =	vadd.s32 v30, v16  }
0x38: {  	v17 =	vadd.s32 v31, v17;
	v18 =	vadd.s32 v32, v18;
	v19 =	vadd.s32 v34, v19  }
0x39: {  	v23 =	vadd.s32 v35, v23;
	v24 =	vadd.s32 v36, v24;
	v20 =	vadd.s32 v25, v20  }
0x3a: {  	vm1 =	vle.f32 v29, v7;
	vm0 =	vle.f32 v29, v6;
	vm2 =	vle.f32 v29, v1  }
.Ltmp1:
0x3b: {  	vm4 =	vle.f32 v33, v9;
	vm7 =	vle.f32 v33, v10;
	v25 =	vsel vm2, $0x1, v0;
	(pc) =	sbr.rel @p0 .LBB2_3-.Ltmp1, $4  }
0x3c: {  	vm8 =	vle.f32 v33, v12;
	vm9 =	vle.f32 v33, v13;
	v5 =	vadd.s32 v25, v5  }
0x3d: {  	vm3 =	vle.f32 v29, v4;
	vm5 =	vle.f32 v33, v11;
	vm6 =	vle.f32 v33, v8  }
0x3e: {  	vm2 =	vle.f32 v29, v2;
	v25 =	vsel vm4, $0x1, v0;
	vm4 =	vle.f32 v29, v3  }
0x3f: {  	s12 =	sshra.s32 s11, $0x2;
	s11 =	sadd.s32 $0x4, s11;
	v28 =	vsel vm7, $0x1, v0;
	v26 =	vsel vm8, $0x1, v0;
	v27 =	vsel vm9, $0x1, v0  }
0x40: {  	v29 =	vsel vm5, $0x1, v0;
	v30 =	vsel vm6, $0x1, v0;
	v31 =	vsel vm1, $0x1, v0;
	v32 =	vld.msk [tilespmem:s12+$0x0 ss:$0x0], $0xffff  }
0x41: {  	v33 =	vsel vm0, $0x1, v0;
	v34 =	vsel vm3, $0x1, v0;
	v35 =	vsel vm4, $0x1, v0  }
0x42: {  	v21 =	vadd.s32 v25, v21;
	v22 =	vadd.s32 v28, v22;
	v53 =	vsel vm2, $0x1, v0  }
0x43: {  	v14 =	vadd.s32 v26, v14;
	v16 =	vadd.s32 v29, v16;
	v17 =	vadd.s32 v30, v17  }
0x44: {  	v18 =	vadd.s32 v31, v18;
	v19 =	vadd.s32 v33, v19;
	v23 =	vadd.s32 v34, v23  }
0x45: {  	v54 =	vld.msk [tilespmem:s12+$0x80 ss:$0x0], $0xffff;
	v24 =	vadd.s32 v35, v24;
	v20 =	vadd.s32 v53, v20;
	vm4 =	vle.f32 v32, v9  }
0x46: {  	vm5 =	vle.f32 v32, v10;
	vm6 =	vle.f32 v32, v12;
	v55 =	vsel vm4, $0x1, v0  }
0x47: {  	vm7 =	vle.f32 v32, v13;
	v56 =	vsel vm5, $0x1, v0;
	v10 =	vadd.s32 v55, v21  }
0x48: {  	vm8 =	vle.f32 v32, v11;
	v57 =	vsel vm6, $0x1, v0;
	v12 =	vadd.s32 v56, v22;
	[tilespmem:$0x100] =	vst v10  }
0x49: {  	vm9 =	vle.f32 v32, v8;
	v60 =	vsel vm8, $0x1, v0;
	v59 =	vadd.s32 v57, v14;
	[tilespmem:$0x110] =	vst v12  }
0x4a: {  	vm10 =	vle.f32 v54, v7;
	v61 =	vsel vm9, $0x1, v0;
	v8 =	vadd.s32 v60, v16;
	[tilespmem:$0x120] =	vst v59  }
0x4b: {  	vm11 =	vle.f32 v54, v6;
	v62 =	vsel vm10, $0x1, v0;
	v7 =	vadd.s32 v61, v17;
	[tilespmem:$0x140] =	vst v8  }
0x4c: {  	vm12 =	vle.f32 v54, v4;
	v63 =	vsel vm11, $0x1, v0;
	v6 =	vadd.s32 v62, v18;
	[tilespmem:$0x150] =	vst v7  }
0x4d: {  	vm13 =	vle.f32 v54, v3;
	v3 =	vsel vm12, $0x1, v0;
	v4 =	vadd.s32 v63, v19;
	[tilespmem:$0x160] =	vst v6  }
0x4e: {  	vm14 =	vle.f32 v54, v2;
	v2 =	vsel vm13, $0x1, v0;
	v3 =	vadd.s32 v3, v23;
	[tilespmem:$0x170] =	vst v4  }
0x4f: {  	vm15 =	vle.f32 v54, v1;
	v1 =	vsel vm14, $0x1, v0;
	v2 =	vadd.s32 v2, v24;
	[tilespmem:$0x180] =	vst v3  }
0x50: {  	v15 =	vadd.s32 v27, v15;
	v58 =	vsel vm7, $0x1, v0;
	v1 =	vadd.s32 v1, v20;
	[tilespmem:$0x190] =	vst v2  }
0x51: {  	s10 =	sadd.s32 $0x1, s10;
	v10 =	vadd.s32 v58, v15;
	v3 =	vsel vm15, $0x1, v0;
	[tilespmem:$0x1A0] =	vst v1  }
0x52: {  	p0 =	sne.s32 s10, s5;
	[tilespmem:$0x130] =	vst v10;
	v2 =	vadd.s32 v3, v5  }
.Ltmp2:
0x53: {  	[tilespmem:$0x1B0] =	vst v2;
	(pc) =	sbr.rel @p0 .LBB2_2-.Ltmp2, $4  }
0x54: {  	[hbm4b:s4+s6] =	stream.linear.scatter [tilespmem:s9], [sflag:$0x1], $0xC0, $0x38;
	[tilespmem:$0x200] =	vst v63  }
0x55: {  	_ =	swait.ge [sflag:s7], $0xC0  }
0x56: {  	[sflag:s7] =	ssyncset.done $0x0  }
0x57: {  	[sflag:s7] =	ssyncadd.s32 $0xFFFFFF40  }
.LBB2_5:
0x58: {  	_ =	sfence.sel $0x180000  }
0x59: {  	[bflag:$0x0] =	sbarrier.arrive $0xFFFF  }
0x5a: {  	p0 =	sne.s32 s0, $0x0;
	_ =	strace $0x90000047  }
0x5b: {  	s0 =	sadd.s32 @!p0 $0x100000, s2;
	[bflag:$0x2] =	sbarrier.arrive $0xFFFF  }
0x5c: {  	[sflag:s0] =	ssyncadd.tile.s32 @!p0 $0x1;
	_ =	shalt  }
.Lfunc_end2:
_tile_overlayer_lowered:
.L_overlay_start_2:
0x5d: {  	(tag) =	ssettag $0x2  }
0x5e: {  	s0 =	rddreg [dreg:$0x0];
	s2 =	stileid.u32  }
0x5f: {  	s1 =	rddreg [dreg:$0x1];
	p0 =	sne.s32 s2, $0x0  }
0x60: {  	s3 =	rddreg [dreg:$0x2];
	[bflag:$0x3] =	sbarrier.arrive $0xFFFF;
	s2 =	simm.s32 @!p0 $0x1C01  }
0x61: {  	[timem:s3], [sflag:s2] =	dma.local @!p0 [hbm:s0], s1  }
0x62: {  	s0 =	simm.s32 @!p0 $0x1  }
0x63: {  	_ =	swait.ge @!p0 [sflag:s0], s1  }
0x64: {  	s1 =	ssub.s32 @!p0 $0x0, s1;
	[sflag:s0] =	ssyncset.done @!p0 $0x0  }
0x65: {  	[sflag:s0] =	ssyncadd.s32 @!p0 s1  }
0x66: {  	[bflag:$0x3] =	sbarrier.arrive $0xFFFF  }
0x67: {  	_ =	shalt  }

</sc_bundles>
